<compile_context>
chip_gen: v7x
topology: tpu7x:2x2x1
jax: 0.10.2.dev20260603
libtpu: 0.0.44.dev20260713+nightly
codegen_flags: <defaults>
</compile_context>

<pallas_src>
import functools

import jax
import jax.numpy as jnp
from jax.experimental import pallas as pl
from jax.experimental.pallas import tpu as pltpu
from jax.experimental.pallas import tpu_sc as plsc


def _dist_body(x_ref, w_ref, idx_ref):
    nb = x_ref.shape[0]
    w = w_ref[...]
    K = w.shape[0]
    w2 = jnp.sum(w * w, axis=1)
    for i in range(nb):
        x = x_ref[i]
        xw = jax.lax.dot_general(w, x, (((1,), (0,)), ((), ())),
                                 preferred_element_type=jnp.float32)
        x2 = jnp.sum(x * x, axis=0)
        d = (x2[None, :] + w2[:, None]) - 2.0 * xw
        m = jnp.min(d, axis=0)
        kk = jax.lax.broadcasted_iota(jnp.int32, d.shape, 0)
        idx_ref[i] = jnp.min(jnp.where(d == m[None, :], kk, K), axis=0)


def _onehot_body(idx_ref, e_ref):
    nb, P = idx_ref.shape
    K = e_ref.shape[1]
    p_iota = jax.lax.broadcasted_iota(jnp.int32, (P, K), 1)
    for i in range(nb):
        idx_col = jnp.transpose(idx_ref[i].reshape(1, P))
        e_ref[pl.ds(i * P, P), :] = (p_iota == idx_col).astype(jnp.float32)


def _sc_gather_body(w_hbm, idx_hbm, q_hbm, w_v, idx_v, out_v):
    b = jax.lax.axis_index("s") * 2 + jax.lax.axis_index("c")
    pltpu.sync_copy(w_hbm, w_v)
    pltpu.sync_copy(idx_hbm.at[b], idx_v)

    @plsc.parallel_loop(0, 64, unroll=4)
    def _chunk(j):
        idx16 = idx_v[pl.ds(j * 16, 16)]
        for ch in range(64):
            ch16 = jnp.full((16,), ch, jnp.int32)
            out_v[ch, pl.ds(j * 16, 16)] = plsc.load_gather(
                w_v, [idx16, ch16])

    pltpu.sync_copy(out_v, q_hbm.at[b])


@functools.partial(jax.jit, static_argnames=("interpret",))
def kernel(inputs, W, interpret=False):
    B, C, H, Wd = inputs.shape
    P = H * Wd
    K = W.shape[0]
    x3 = inputs.reshape(B, C, P)
    NB = 8
    idx2d = pl.pallas_call(
        _dist_body,
        grid=(B // NB,),
        in_specs=[
            pl.BlockSpec((NB, C, P), lambda b: (b, 0, 0)),
            pl.BlockSpec((K, C), lambda b: (0, 0)),
        ],
        out_specs=pl.BlockSpec((NB, P), lambda b: (b, 0)),
        out_shape=jax.ShapeDtypeStruct((B, P), jnp.int32),
        interpret=interpret,
    )(x3, W)

    sc_gather = pl.kernel(
        _sc_gather_body,
        out_type=jax.ShapeDtypeStruct((B, C, P), jnp.float32),
        mesh=plsc.VectorSubcoreMesh(core_axis_name="c", subcore_axis_name="s"),
        compiler_params=pltpu.CompilerParams(needs_layout_passes=False),
        scratch_types=[
            pltpu.VMEM((K, C), jnp.float32),
            pltpu.VMEM((P,), jnp.int32),
            pltpu.VMEM((C, P), jnp.float32),
        ],
    )
    q3 = sc_gather(W, idx2d)

    NE = 8
    e = pl.pallas_call(
        _onehot_body,
        grid=(B // NE,),
        in_specs=[pl.BlockSpec((NE, P), lambda b: (b, 0))],
        out_specs=pl.BlockSpec((NE * P, K), lambda b: (b, 0)),
        out_shape=jax.ShapeDtypeStruct((B * P, K), jnp.float32),
        interpret=interpret,
    )(idx2d)
    return q3.reshape(B, C, H, Wd), e

# --- scband reference (transcript-rebuilt; emitter-appended) ---
"""Pipeline reference for scband-vector-quantizer-ema-35570919145946 (READ-ONLY COPY).

The authoritative reference and input builder live on the scoring server;
editing this copy changes nothing except your own understanding.
"""

import jax, jax.numpy as jnp
import numpy as np

NUM_EMBEDDINGS = 256
EMBEDDING_DIM = 64

def setup_inputs(seed: int = 0) -> dict:
    key = jax.random.key(seed)
    k1, k2 = jax.random.split(key)
    inputs = jax.random.normal(k1, (32, 64, 32, 32), dtype=jnp.float32)
    # nn.Embedding weight initialized with normal_()
    W = jax.random.normal(k2, (NUM_EMBEDDINGS, EMBEDDING_DIM), dtype=jnp.float32)
    return {"inputs": inputs, "W": W}

def reference(inputs, W):
    # inputs: [B, C, H, W] -> [B, H, W, C]
    x = jnp.transpose(inputs, (0, 2, 3, 1))
    input_shape = x.shape
    flat_input = x.reshape(-1, EMBEDDING_DIM)
    # squared L2 distances to each codebook entry
    distances = (jnp.sum(flat_input ** 2, axis=1, keepdims=True)
                 + jnp.sum(W ** 2, axis=1)
                 - 2.0 * jnp.matmul(flat_input, W.T))
    encoding_indices = jnp.argmin(distances, axis=1)
    # one-hot scatter of indices
    encodings = jax.nn.one_hot(encoding_indices, NUM_EMBEDDINGS, dtype=jnp.float32)
    quantized = jnp.matmul(encodings, W).reshape(input_shape)
    # eval (non-training) branch: return quantized (back to NCHW) and encodings
    quantized = jnp.transpose(quantized, (0, 3, 1, 2))
    return (quantized, encodings)

if __name__ == "__main__":
    import jax
    _d = setup_inputs()
    print(jax.jit(kernel)(*tuple(_d.values())))

</pallas_src>

<mosaic_0001>
#map = affine_map<(d0, d1) -> (0, 0)>
#map1 = affine_map<(d0, d1) -> (0, 0, 0)>
module attributes {stable_mosaic.version = 14 : i64} {
  func.func @_sc_gather_body(%arg0: i32, %arg1: i32, %arg2: memref<256x64xf32, #tpu.memory_space<hbm>>, %arg3: memref<32x1024xi32, #tpu.memory_space<hbm>>, %arg4: memref<32x64x1024xf32, #tpu.memory_space<hbm>>, %arg5: memref<256x64xf32, #tpu.memory_space<vmem>>, %arg6: memref<1024xi32, #tpu.memory_space<vmem>>, %arg7: memref<64x1024xf32, #tpu.memory_space<vmem>>) attributes {dimension_semantics = [#tpu.dimension_semantics<core_parallel>, #tpu.dimension_semantics<subcore_parallel>], iteration_bounds = array<i64: 2, 16>, scalar_prefetch = 0 : i64, scratch_operands = 3 : i64, tpu.core_type = #tpu.core_type<sc_vector_subcore>, window_params = [{transform_indices = #map}, {transform_indices = #map}, {transform_indices = #map1}]} {
    %mul3A = arith.constant 2 : i32
    %mul3A_0 = arith.muli %arg1, %mul3A : i32
    %add3A = arith.addi %mul3A_0, %arg0 : i32
    "tpu.region"() ({
      %run_scoped3A = tpu.sem_alloc : memref<!tpu.dma_semaphore, #tpu.memory_space<semaphore_mem>>
      tpu.enqueue_dma source(%arg2 : memref<256x64xf32, #tpu.memory_space<hbm>>) target(%arg5 : memref<256x64xf32, #tpu.memory_space<vmem>>) target_semaphore(%run_scoped3A : memref<!tpu.dma_semaphore, #tpu.memory_space<semaphore_mem>>)
      tpu.wait_dma2 semaphore(%run_scoped3A : memref<!tpu.dma_semaphore, #tpu.memory_space<semaphore_mem>>) src(%arg2 : memref<256x64xf32, #tpu.memory_space<hbm>>) dst(%arg5 : memref<256x64xf32, #tpu.memory_space<vmem>>)
      tpu.yield
    }) : () -> ()
    "tpu.region"() ({
      %run_scoped3A = tpu.sem_alloc : memref<!tpu.dma_semaphore, #tpu.memory_space<semaphore_mem>>
      %dma_start3A = arith.constant 0 : i32
      %dma_start3A_3 = tpu.memref_slice %arg3[%add3A, %dma_start3A] : memref<32x1024xi32, #tpu.memory_space<hbm>> -> memref<1x1024xi32, #tpu.memory_space<hbm>>
      %dma_start3A_4 = tpu.memref_squeeze %dma_start3A_3 : memref<1x1024xi32, #tpu.memory_space<hbm>> -> memref<1024xi32, #tpu.memory_space<hbm>>
      %dma_start3A_5 = arith.constant 0 : i32
      %dma_start3A_6 = tpu.memref_slice %arg3[%add3A, %dma_start3A_5] : memref<32x1024xi32, #tpu.memory_space<hbm>> -> memref<1x1024xi32, #tpu.memory_space<hbm>>
      %dma_start3A_7 = tpu.memref_squeeze %dma_start3A_6 : memref<1x1024xi32, #tpu.memory_space<hbm>> -> memref<1024xi32, #tpu.memory_space<hbm>>
      tpu.enqueue_dma source(%dma_start3A_7 : memref<1024xi32, #tpu.memory_space<hbm>>) target(%arg6 : memref<1024xi32, #tpu.memory_space<vmem>>) target_semaphore(%run_scoped3A : memref<!tpu.dma_semaphore, #tpu.memory_space<semaphore_mem>>)
      %dma_wait3A = arith.constant 0 : i32
      %dma_wait3A_8 = tpu.memref_slice %arg3[%add3A, %dma_wait3A] : memref<32x1024xi32, #tpu.memory_space<hbm>> -> memref<1x1024xi32, #tpu.memory_space<hbm>>
      %dma_wait3A_9 = tpu.memref_squeeze %dma_wait3A_8 : memref<1x1024xi32, #tpu.memory_space<hbm>> -> memref<1024xi32, #tpu.memory_space<hbm>>
      %dma_wait3A_10 = arith.constant 0 : i32
      %dma_wait3A_11 = tpu.memref_slice %arg3[%add3A, %dma_wait3A_10] : memref<32x1024xi32, #tpu.memory_space<hbm>> -> memref<1x1024xi32, #tpu.memory_space<hbm>>
      %dma_wait3A_12 = tpu.memref_squeeze %dma_wait3A_11 : memref<1x1024xi32, #tpu.memory_space<hbm>> -> memref<1024xi32, #tpu.memory_space<hbm>>
      tpu.wait_dma2 semaphore(%run_scoped3A : memref<!tpu.dma_semaphore, #tpu.memory_space<semaphore_mem>>) src(%dma_wait3A_12 : memref<1024xi32, #tpu.memory_space<hbm>>) dst(%arg6 : memref<1024xi32, #tpu.memory_space<vmem>>)
      tpu.yield
    }) : () -> ()
    %parallel_loop3A = arith.constant 0 : i32
    %parallel_loop3A_1 = arith.constant 64 : i32
    %parallel_loop3A_2 = arith.constant 1 : i32
    scf.for %parallel_loop3A_3 = %parallel_loop3A to %parallel_loop3A_1 step %parallel_loop3A_2  : i32 {
      %parallel_loop3A_4 = arith.constant 16 : i32
      %parallel_loop3A_5 = arith.muli %parallel_loop3A_3, %parallel_loop3A_4 : i32
      %parallel_loop3A_6 = arith.index_cast %parallel_loop3A_5 : i32 to index
      %parallel_loop3A_7 = tpu.vector_load %arg6[%parallel_loop3A_6] {strides = array<i32>} : memref<1024xi32, #tpu.memory_space<vmem>>, vector<16xi32>,
      %parallel_loop3A_8 = arith.constant 0 : i32
      %parallel_loop3A_9 = vector.broadcast %parallel_loop3A_8 : i32 to vector<16xi32>
      %parallel_loop3A_10 = tpu.vector_load_idx %arg5[%parallel_loop3A_7, %parallel_loop3A_9] : memref<256x64xf32, #tpu.memory_space<vmem>>[vector<16xi32>, vector<16xi32>], vector<16xf32>,
      %parallel_loop3A_11 = arith.constant 16 : i32
      %parallel_loop3A_12 = arith.muli %parallel_loop3A_3, %parallel_loop3A_11 : i32
      %parallel_loop3A_13 = arith.constant 0 : i32
      %parallel_loop3A_14 = arith.index_cast %parallel_loop3A_13 : i32 to index
      %parallel_loop3A_15 = arith.index_cast %parallel_loop3A_12 : i32 to index
      %parallel_loop3A_16 = tpu.vector_load %arg7[%parallel_loop3A_14, %parallel_loop3A_15] {strides = array<i32>} : memref<64x1024xf32, #tpu.memory_space<vmem>>, vector<16xf32>,
      tpu.vector_store %arg7[%parallel_loop3A_14, %parallel_loop3A_15], %parallel_loop3A_10 {strides = array<i32>} : memref<64x1024xf32, #tpu.memory_space<vmem>>, vector<16xf32>,
      %parallel_loop3A_17 = arith.constant 1 : i32
      %parallel_loop3A_18 = vector.broadcast %parallel_loop3A_17 : i32 to vector<16xi32>
      %parallel_loop3A_19 = tpu.vector_load_idx %arg5[%parallel_loop3A_7, %parallel_loop3A_18] : memref<256x64xf32, #tpu.memory_space<vmem>>[vector<16xi32>, vector<16xi32>], vector<16xf32>,
      %parallel_loop3A_20 = arith.constant 16 : i32
      %parallel_loop3A_21 = arith.muli %parallel_loop3A_3, %parallel_loop3A_20 : i32
      %parallel_loop3A_22 = arith.constant 1 : i32
      %parallel_loop3A_23 = arith.index_cast %parallel_loop3A_22 : i32 to index
      %parallel_loop3A_24 = arith.index_cast %parallel_loop3A_21 : i32 to index
      %parallel_loop3A_25 = tpu.vector_load %arg7[%parallel_loop3A_23, %parallel_loop3A_24] {strides = array<i32>} : memref<64x1024xf32, #tpu.memory_space<vmem>>, vector<16xf32>,
      tpu.vector_store %arg7[%parallel_loop3A_23, %parallel_loop3A_24], %parallel_loop3A_19 {strides = array<i32>} : memref<64x1024xf32, #tpu.memory_space<vmem>>, vector<16xf32>,
      %parallel_loop3A_26 = arith.constant 2 : i32
      %parallel_loop3A_27 = vector.broadcast %parallel_loop3A_26 : i32 to vector<16xi32>
      %parallel_loop3A_28 = tpu.vector_load_idx %arg5[%parallel_loop3A_7, %parallel_loop3A_27] : memref<256x64xf32, #tpu.memory_space<vmem>>[vector<16xi32>, vector<16xi32>], vector<16xf32>,
      %parallel_loop3A_29 = arith.constant 16 : i32
      %parallel_loop3A_30 = arith.muli %parallel_loop3A_3, %parallel_loop3A_29 : i32
      %parallel_loop3A_31 = arith.constant 2 : i32
      %parallel_loop3A_32 = arith.index_cast %parallel_loop3A_31 : i32 to index
      %parallel_loop3A_33 = arith.index_cast %parallel_loop3A_30 : i32 to index
      %parallel_loop3A_34 = tpu.vector_load %arg7[%parallel_loop3A_32, %parallel_loop3A_33] {strides = array<i32>} : memref<64x1024xf32, #tpu.memory_space<vmem>>, vector<16xf32>,
      tpu.vector_store %arg7[%parallel_loop3A_32, %parallel_loop3A_33], %parallel_loop3A_28 {strides = array<i32>} : memref<64x1024xf32, #tpu.memory_space<vmem>>, vector<16xf32>,
      %parallel_loop3A_35 = arith.constant 3 : i32
      %parallel_loop3A_36 = vector.broadcast %parallel_loop3A_35 : i32 to vector<16xi32>
      %parallel_loop3A_37 = tpu.vector_load_idx %arg5[%parallel_loop3A_7, %parallel_loop3A_36] : memref<256x64xf32, #tpu.memory_space<vmem>>[vector<16xi32>, vector<16xi32>], vector<16xf32>,
      %parallel_loop3A_38 = arith.constant 16 : i32
      %parallel_loop3A_39 = arith.muli %parallel_loop3A_3, %parallel_loop3A_38 : i32
      %parallel_loop3A_40 = arith.constant 3 : i32
      %parallel_loop3A_41 = arith.index_cast %parallel_loop3A_40 : i32 to index
      %parallel_loop3A_42 = arith.index_cast %parallel_loop3A_39 : i32 to index
      %parallel_loop3A_43 = tpu.vector_load %arg7[%parallel_loop3A_41, %parallel_loop3A_42] {strides = array<i32>} : memref<64x1024xf32, #tpu.memory_space<vmem>>, vector<16xf32>,
      tpu.vector_store %arg7[%parallel_loop3A_41, %parallel_loop3A_42], %parallel_loop3A_37 {strides = array<i32>} : memref<64x1024xf32, #tpu.memory_space<vmem>>, vector<16xf32>,
      %parallel_loop3A_44 = arith.constant 4 : i32
      %parallel_loop3A_45 = vector.broadcast %parallel_loop3A_44 : i32 to vector<16xi32>
      %parallel_loop3A_46 = tpu.vector_load_idx %arg5[%parallel_loop3A_7, %parallel_loop3A_45] : memref<256x64xf32, #tpu.memory_space<vmem>>[vector<16xi32>, vector<16xi32>], vector<16xf32>,
      %parallel_loop3A_47 = arith.constant 16 : i32
      %parallel_loop3A_48 = arith.muli %parallel_loop3A_3, %parallel_loop3A_47 : i32
      %parallel_loop3A_49 = arith.constant 4 : i32
      %parallel_loop3A_50 = arith.index_cast %parallel_loop3A_49 : i32 to index
      %parallel_loop3A_51 = arith.index_cast %parallel_loop3A_48 : i32 to index
      %parallel_loop3A_52 = tpu.vector_load %arg7[%parallel_loop3A_50, %parallel_loop3A_51] {strides = array<i32>} : memref<64x1024xf32, #tpu.memory_space<vmem>>, vector<16xf32>,
      tpu.vector_store %arg7[%parallel_loop3A_50, %parallel_loop3A_51], %parallel_loop3A_46 {strides = array<i32>} : memref<64x1024xf32, #tpu.memory_space<vmem>>, vector<16xf32>,
      %parallel_loop3A_53 = arith.constant 5 : i32
      %parallel_loop3A_54 = vector.broadcast %parallel_loop3A_53 : i32 to vector<16xi32>
      %parallel_loop3A_55 = tpu.vector_load_idx %arg5[%parallel_loop3A_7, %parallel_loop3A_54] : memref<256x64xf32, #tpu.memory_space<vmem>>[vector<16xi32>, vector<16xi32>], vector<16xf32>,
      %parallel_loop3A_56 = arith.constant 16 : i32
      %parallel_loop3A_57 = arith.muli %parallel_loop3A_3, %parallel_loop3A_56 : i32
      %parallel_loop3A_58 = arith.constant 5 : i32
      %parallel_loop3A_59 = arith.index_cast %parallel_loop3A_58 : i32 to index
      %parallel_loop3A_60 = arith.index_cast %parallel_loop3A_57 : i32 to index
      %parallel_loop3A_61 = tpu.vector_load %arg7[%parallel_loop3A_59, %parallel_loop3A_60] {strides = array<i32>} : memref<64x1024xf32, #tpu.memory_space<vmem>>, vector<16xf32>,
      tpu.vector_store %arg7[%parallel_loop3A_59, %parallel_loop3A_60], %parallel_loop3A_55 {strides = array<i32>} : memref<64x1024xf32, #tpu.memory_space<vmem>>, vector<16xf32>,
      %parallel_loop3A_62 = arith.constant 6 : i32
      %parallel_loop3A_63 = vector.broadcast %parallel_loop3A_62 : i32 to vector<16xi32>
      %parallel_loop3A_64 = tpu.vector_load_idx %arg5[%parallel_loop3A_7, %parallel_loop3A_63] : memref<256x64xf32, #tpu.memory_space<vmem>>[vector<16xi32>, vector<16xi32>], vector<16xf32>,
      %parallel_loop3A_65 = arith.constant 16 : i32
      %parallel_loop3A_66 = arith.muli %parallel_loop3A_3, %parallel_loop3A_65 : i32
      %parallel_loop3A_67 = arith.constant 6 : i32
      %parallel_loop3A_68 = arith.index_cast %parallel_loop3A_67 : i32 to index
      %parallel_loop3A_69 = arith.index_cast %parallel_loop3A_66 : i32 to index
      %parallel_loop3A_70 = tpu.vector_load %arg7[%parallel_loop3A_68, %parallel_loop3A_69] {strides = array<i32>} : memref<64x1024xf32, #tpu.memory_space<vmem>>, vector<16xf32>,
      tpu.vector_store %arg7[%parallel_loop3A_68, %parallel_loop3A_69], %parallel_loop3A_64 {strides = array<i32>} : memref<64x1024xf32, #tpu.memory_space<vmem>>, vector<16xf32>,
      %parallel_loop3A_71 = arith.constant 7 : i32
      %parallel_loop3A_72 = vector.broadcast %parallel_loop3A_71 : i32 to vector<16xi32>
      %parallel_loop3A_73 = tpu.vector_load_idx %arg5[%parallel_loop3A_7, %parallel_loop3A_72] : memref<256x64xf32, #tpu.memory_space<vmem>>[vector<16xi32>, vector<16xi32>], vector<16xf32>,
      %parallel_loop3A_74 = arith.constant 16 : i32
      %parallel_loop3A_75 = arith.muli %parallel_loop3A_3, %parallel_loop3A_74 : i32
      %parallel_loop3A_76 = arith.constant 7 : i32
      %parallel_loop3A_77 = arith.index_cast %parallel_loop3A_76 : i32 to index
      %parallel_loop3A_78 = arith.index_cast %parallel_loop3A_75 : i32 to index
      %parallel_loop3A_79 = tpu.vector_load %arg7[%parallel_loop3A_77, %parallel_loop3A_78] {strides = array<i32>} : memref<64x1024xf32, #tpu.memory_space<vmem>>, vector<16xf32>,
      tpu.vector_store %arg7[%parallel_loop3A_77, %parallel_loop3A_78], %parallel_loop3A_73 {strides = array<i32>} : memref<64x1024xf32, #tpu.memory_space<vmem>>, vector<16xf32>,
      %parallel_loop3A_80 = arith.constant 8 : i32
      %parallel_loop3A_81 = vector.broadcast %parallel_loop3A_80 : i32 to vector<16xi32>
      %parallel_loop3A_82 = tpu.vector_load_idx %arg5[%parallel_loop3A_7, %parallel_loop3A_81] : memref<256x64xf32, #tpu.memory_space<vmem>>[vector<16xi32>, vector<16xi32>], vector<16xf32>,
      %parallel_loop3A_83 = arith.constant 16 : i32
      %parallel_loop3A_84 = arith.muli %parallel_loop3A_3, %parallel_loop3A_83 : i32
      %parallel_loop3A_85 = arith.constant 8 : i32
      %parallel_loop3A_86 = arith.index_cast %parallel_loop3A_85 : i32 to index
      %parallel_loop3A_87 = arith.index_cast %parallel_loop3A_84 : i32 to index
      %parallel_loop3A_88 = tpu.vector_load %arg7[%parallel_loop3A_86, %parallel_loop3A_87] {strides = array<i32>} : memref<64x1024xf32, #tpu.memory_space<vmem>>, vector<16xf32>,
      tpu.vector_store %arg7[%parallel_loop3A_86, %parallel_loop3A_87], %parallel_loop3A_82 {strides = array<i32>} : memref<64x1024xf32, #tpu.memory_space<vmem>>, vector<16xf32>,
      %parallel_loop3A_89 = arith.constant 9 : i32
      %parallel_loop3A_90 = vector.broadcast %parallel_loop3A_89 : i32 to vector<16xi32>
      %parallel_loop3A_91 = tpu.vector_load_idx %arg5[%parallel_loop3A_7, %parallel_loop3A_90] : memref<256x64xf32, #tpu.memory_space<vmem>>[vector<16xi32>, vector<16xi32>], vector<16xf32>,
      %parallel_loop3A_92 = arith.constant 16 : i32
      %parallel_loop3A_93 = arith.muli %parallel_loop3A_3, %parallel_loop3A_92 : i32
      %parallel_loop3A_94 = arith.constant 9 : i32
      %parallel_loop3A_95 = arith.index_cast %parallel_loop3A_94 : i32 to index
      %parallel_loop3A_96 = arith.index_cast %parallel_loop3A_93 : i32 to index
      %parallel_loop3A_97 = tpu.vector_load %arg7[%parallel_loop3A_95, %parallel_loop3A_96] {strides = array<i32>} : memref<64x1024xf32, #tpu.memory_space<vmem>>, vector<16xf32>,
      tpu.vector_store %arg7[%parallel_loop3A_95, %parallel_loop3A_96], %parallel_loop3A_91 {strides = array<i32>} : memref<64x1024xf32, #tpu.memory_space<vmem>>, vector<16xf32>,
      %parallel_loop3A_98 = arith.constant 10 : i32
      %parallel_loop3A_99 = vector.broadcast %parallel_loop3A_98 : i32 to vector<16xi32>
      %parallel_loop3A_100 = tpu.vector_load_idx %arg5[%parallel_loop3A_7, %parallel_loop3A_99] : memref<256x64xf32, #tpu.memory_space<vmem>>[vector<16xi32>, vector<16xi32>], vector<16xf32>,
      %parallel_loop3A_101 = arith.constant 16 : i32
      %parallel_loop3A_102 = arith.muli %parallel_loop3A_3, %parallel_loop3A_101 : i32
      %parallel_loop3A_103 = arith.constant 10 : i32
      %parallel_loop3A_104 = arith.index_cast %parallel_loop3A_103 : i32 to index
      %parallel_loop3A_105 = arith.index_cast %parallel_loop3A_102 : i32 to index
      %parallel_loop3A_106 = tpu.vector_load %arg7[%parallel_loop3A_104, %parallel_loop3A_105] {strides = array<i32>} : memref<64x1024xf32, #tpu.memory_space<vmem>>, vector<16xf32>,
      tpu.vector_store %arg7[%parallel_loop3A_104, %parallel_loop3A_105], %parallel_loop3A_100 {strides = array<i32>} : memref<64x1024xf32, #tpu.memory_space<vmem>>, vector<16xf32>,
      %parallel_loop3A_107 = arith.constant 11 : i32
      %parallel_loop3A_108 = vector.broadcast %parallel_loop3A_107 : i32 to vector<16xi32>
      %parallel_loop3A_109 = tpu.vector_load_idx %arg5[%parallel_loop3A_7, %parallel_loop3A_108] : memref<256x64xf32, #tpu.memory_space<vmem>>[vector<16xi32>, vector<16xi32>], vector<16xf32>,
      %parallel_loop3A_110 = arith.constant 16 : i32
      %parallel_loop3A_111 = arith.muli %parallel_loop3A_3, %parallel_loop3A_110 : i32
      %parallel_loop3A_112 = arith.constant 11 : i32
      %parallel_loop3A_113 = arith.index_cast %parallel_loop3A_112 : i32 to index
      %parallel_loop3A_114 = arith.index_cast %parallel_loop3A_111 : i32 to index
      %parallel_loop3A_115 = tpu.vector_load %arg7[%parallel_loop3A_113, %parallel_loop3A_114] {strides = array<i32>} : memref<64x1024xf32, #tpu.memory_space<vmem>>, vector<16xf32>,
      tpu.vector_store %arg7[%parallel_loop3A_113, %parallel_loop3A_114], %parallel_loop3A_109 {strides = array<i32>} : memref<64x1024xf32, #tpu.memory_space<vmem>>, vector<16xf32>,
      %parallel_loop3A_116 = arith.constant 12 : i32
      %parallel_loop3A_117 = vector.broadcast %parallel_loop3A_116 : i32 to vector<16xi32>
      %parallel_loop3A_118 = tpu.vector_load_idx %arg5[%parallel_loop3A_7, %parallel_loop3A_117] : memref<256x64xf32, #tpu.memory_space<vmem>>[vector<16xi32>, vector<16xi32>], vector<16xf32>,
      %parallel_loop3A_119 = arith.constant 16 : i32
      %parallel_loop3A_120 = arith.muli %parallel_loop3A_3, %parallel_loop3A_119 : i32
      %parallel_loop3A_121 = arith.constant 12 : i32
      %parallel_loop3A_122 = arith.index_cast %parallel_loop3A_121 : i32 to index
      %parallel_loop3A_123 = arith.index_cast %parallel_loop3A_120 : i32 to index
      %parallel_loop3A_124 = tpu.vector_load %arg7[%parallel_loop3A_122, %parallel_loop3A_123] {strides = array<i32>} : memref<64x1024xf32, #tpu.memory_space<vmem>>, vector<16xf32>,
      tpu.vector_store %arg7[%parallel_loop3A_122, %parallel_loop3A_123], %parallel_loop3A_118 {strides = array<i32>} : memref<64x1024xf32, #tpu.memory_space<vmem>>, vector<16xf32>,
      %parallel_loop3A_125 = arith.constant 13 : i32
      %parallel_loop3A_126 = vector.broadcast %parallel_loop3A_125 : i32 to vector<16xi32>
      %parallel_loop3A_127 = tpu.vector_load_idx %arg5[%parallel_loop3A_7, %parallel_loop3A_126] : memref<256x64xf32, #tpu.memory_space<vmem>>[vector<16xi32>, vector<16xi32>], vector<16xf32>,
      %parallel_loop3A_128 = arith.constant 16 : i32
      %parallel_loop3A_129 = arith.muli %parallel_loop3A_3, %parallel_loop3A_128 : i32
      %parallel_loop3A_130 = arith.constant 13 : i32
      %parallel_loop3A_131 = arith.index_cast %parallel_loop3A_130 : i32 to index
      %parallel_loop3A_132 = arith.index_cast %parallel_loop3A_129 : i32 to index
      %parallel_loop3A_133 = tpu.vector_load %arg7[%parallel_loop3A_131, %parallel_loop3A_132] {strides = array<i32>} : memref<64x1024xf32, #tpu.memory_space<vmem>>, vector<16xf32>,
      tpu.vector_store %arg7[%parallel_loop3A_131, %parallel_loop3A_132], %parallel_loop3A_127 {strides = array<i32>} : memref<64x1024xf32, #tpu.memory_space<vmem>>, vector<16xf32>,
      %parallel_loop3A_134 = arith.constant 14 : i32
      %parallel_loop3A_135 = vector.broadcast %parallel_loop3A_134 : i32 to vector<16xi32>
      %parallel_loop3A_136 = tpu.vector_load_idx %arg5[%parallel_loop3A_7, %parallel_loop3A_135] : memref<256x64xf32, #tpu.memory_space<vmem>>[vector<16xi32>, vector<16xi32>], vector<16xf32>,
      %parallel_loop3A_137 = arith.constant 16 : i32
      %parallel_loop3A_138 = arith.muli %parallel_loop3A_3, %parallel_loop3A_137 : i32
      %parallel_loop3A_139 = arith.constant 14 : i32
      %parallel_loop3A_140 = arith.index_cast %parallel_loop3A_139 : i32 to index
      %parallel_loop3A_141 = arith.index_cast %parallel_loop3A_138 : i32 to index
      %parallel_loop3A_142 = tpu.vector_load %arg7[%parallel_loop3A_140, %parallel_loop3A_141] {strides = array<i32>} : memref<64x1024xf32, #tpu.memory_space<vmem>>, vector<16xf32>,
      tpu.vector_store %arg7[%parallel_loop3A_140, %parallel_loop3A_141], %parallel_loop3A_136 {strides = array<i32>} : memref<64x1024xf32, #tpu.memory_space<vmem>>, vector<16xf32>,
      %parallel_loop3A_143 = arith.constant 15 : i32
      %parallel_loop3A_144 = vector.broadcast %parallel_loop3A_143 : i32 to vector<16xi32>
      %parallel_loop3A_145 = tpu.vector_load_idx %arg5[%parallel_loop3A_7, %parallel_loop3A_144] : memref<256x64xf32, #tpu.memory_space<vmem>>[vector<16xi32>, vector<16xi32>], vector<16xf32>,
      %parallel_loop3A_146 = arith.constant 16 : i32
      %parallel_loop3A_147 = arith.muli %parallel_loop3A_3, %parallel_loop3A_146 : i32
      %parallel_loop3A_148 = arith.constant 15 : i32
      %parallel_loop3A_149 = arith.index_cast %parallel_loop3A_148 : i32 to index
      %parallel_loop3A_150 = arith.index_cast %parallel_loop3A_147 : i32 to index
      %parallel_loop3A_151 = tpu.vector_load %arg7[%parallel_loop3A_149, %parallel_loop3A_150] {strides = array<i32>} : memref<64x1024xf32, #tpu.memory_space<vmem>>, vector<16xf32>,
      tpu.vector_store %arg7[%parallel_loop3A_149, %parallel_loop3A_150], %parallel_loop3A_145 {strides = array<i32>} : memref<64x1024xf32, #tpu.memory_space<vmem>>, vector<16xf32>,
      %parallel_loop3A_152 = arith.constant 16 : i32
      %parallel_loop3A_153 = vector.broadcast %parallel_loop3A_152 : i32 to vector<16xi32>
      %parallel_loop3A_154 = tpu.vector_load_idx %arg5[%parallel_loop3A_7, %parallel_loop3A_153] : memref<256x64xf32, #tpu.memory_space<vmem>>[vector<16xi32>, vector<16xi32>], vector<16xf32>,
      %parallel_loop3A_155 = arith.constant 16 : i32
      %parallel_loop3A_156 = arith.muli %parallel_loop3A_3, %parallel_loop3A_155 : i32
      %parallel_loop3A_157 = arith.constant 16 : i32
      %parallel_loop3A_158 = arith.index_cast %parallel_loop3A_157 : i32 to index
      %parallel_loop3A_159 = arith.index_cast %parallel_loop3A_156 : i32 to index
      %parallel_loop3A_160 = tpu.vector_load %arg7[%parallel_loop3A_158, %parallel_loop3A_159] {strides = array<i32>} : memref<64x1024xf32, #tpu.memory_space<vmem>>, vector<16xf32>,
      tpu.vector_store %arg7[%parallel_loop3A_158, %parallel_loop3A_159], %parallel_loop3A_154 {strides = array<i32>} : memref<64x1024xf32, #tpu.memory_space<vmem>>, vector<16xf32>,
      %parallel_loop3A_161 = arith.constant 17 : i32
      %parallel_loop3A_162 = vector.broadcast %parallel_loop3A_161 : i32 to vector<16xi32>
      %parallel_loop3A_163 = tpu.vector_load_idx %arg5[%parallel_loop3A_7, %parallel_loop3A_162] : memref<256x64xf32, #tpu.memory_space<vmem>>[vector<16xi32>, vector<16xi32>], vector<16xf32>,
      %parallel_loop3A_164 = arith.constant 16 : i32
      %parallel_loop3A_165 = arith.muli %parallel_loop3A_3, %parallel_loop3A_164 : i32
      %parallel_loop3A_166 = arith.constant 17 : i32
      %parallel_loop3A_167 = arith.index_cast %parallel_loop3A_166 : i32 to index
      %parallel_loop3A_168 = arith.index_cast %parallel_loop3A_165 : i32 to index
      %parallel_loop3A_169 = tpu.vector_load %arg7[%parallel_loop3A_167, %parallel_loop3A_168] {strides = array<i32>} : memref<64x1024xf32, #tpu.memory_space<vmem>>, vector<16xf32>,
      tpu.vector_store %arg7[%parallel_loop3A_167, %parallel_loop3A_168], %parallel_loop3A_163 {strides = array<i32>} : memref<64x1024xf32, #tpu.memory_space<vmem>>, vector<16xf32>,
      %parallel_loop3A_170 = arith.constant 18 : i32
      %parallel_loop3A_171 = vector.broadcast %parallel_loop3A_170 : i32 to vector<16xi32>
      %parallel_loop3A_172 = tpu.vector_load_idx %arg5[%parallel_loop3A_7, %parallel_loop3A_171] : memref<256x64xf32, #tpu.memory_space<vmem>>[vector<16xi32>, vector<16xi32>], vector<16xf32>,
      %parallel_loop3A_173 = arith.constant 16 : i32
      %parallel_loop3A_174 = arith.muli %parallel_loop3A_3, %parallel_loop3A_173 : i32
      %parallel_loop3A_175 = arith.constant 18 : i32
      %parallel_loop3A_176 = arith.index_cast %parallel_loop3A_175 : i32 to index
      %parallel_loop3A_177 = arith.index_cast %parallel_loop3A_174 : i32 to index
      %parallel_loop3A_178 = tpu.vector_load %arg7[%parallel_loop3A_176, %parallel_loop3A_177] {strides = array<i32>} : memref<64x1024xf32, #tpu.memory_space<vmem>>, vector<16xf32>,
      tpu.vector_store %arg7[%parallel_loop3A_176, %parallel_loop3A_177], %parallel_loop3A_172 {strides = array<i32>} : memref<64x1024xf32, #tpu.memory_space<vmem>>, vector<16xf32>,
      %parallel_loop3A_179 = arith.constant 19 : i32
      %parallel_loop3A_180 = vector.broadcast %parallel_loop3A_179 : i32 to vector<16xi32>
      %parallel_loop3A_181 = tpu.vector_load_idx %arg5[%parallel_loop3A_7, %parallel_loop3A_180] : memref<256x64xf32, #tpu.memory_space<vmem>>[vector<16xi32>, vector<16xi32>], vector<16xf32>,
      %parallel_loop3A_182 = arith.constant 16 : i32
      %parallel_loop3A_183 = arith.muli %parallel_loop3A_3, %parallel_loop3A_182 : i32
      %parallel_loop3A_184 = arith.constant 19 : i32
      %parallel_loop3A_185 = arith.index_cast %parallel_loop3A_184 : i32 to index
      %parallel_loop3A_186 = arith.index_cast %parallel_loop3A_183 : i32 to index
      %parallel_loop3A_187 = tpu.vector_load %arg7[%parallel_loop3A_185, %parallel_loop3A_186] {strides = array<i32>} : memref<64x1024xf32, #tpu.memory_space<vmem>>, vector<16xf32>,
      tpu.vector_store %arg7[%parallel_loop3A_185, %parallel_loop3A_186], %parallel_loop3A_181 {strides = array<i32>} : memref<64x1024xf32, #tpu.memory_space<vmem>>, vector<16xf32>,
      %parallel_loop3A_188 = arith.constant 20 : i32
      %parallel_loop3A_189 = vector.broadcast %parallel_loop3A_188 : i32 to vector<16xi32>
      %parallel_loop3A_190 = tpu.vector_load_idx %arg5[%parallel_loop3A_7, %parallel_loop3A_189] : memref<256x64xf32, #tpu.memory_space<vmem>>[vector<16xi32>, vector<16xi32>], vector<16xf32>,
      %parallel_loop3A_191 = arith.constant 16 : i32
      %parallel_loop3A_192 = arith.muli %parallel_loop3A_3, %parallel_loop3A_191 : i32
      %parallel_loop3A_193 = arith.constant 20 : i32
      %parallel_loop3A_194 = arith.index_cast %parallel_loop3A_193 : i32 to index
      %parallel_loop3A_195 = arith.index_cast %parallel_loop3A_192 : i32 to index
      %parallel_loop3A_196 = tpu.vector_load %arg7[%parallel_loop3A_194, %parallel_loop3A_195] {strides = array<i32>} : memref<64x1024xf32, #tpu.memory_space<vmem>>, vector<16xf32>,
      tpu.vector_store %arg7[%parallel_loop3A_194, %parallel_loop3A_195], %parallel_loop3A_190 {strides = array<i32>} : memref<64x1024xf32, #tpu.memory_space<vmem>>, vector<16xf32>,
      %parallel_loop3A_197 = arith.constant 21 : i32
      %parallel_loop3A_198 = vector.broadcast %parallel_loop3A_197 : i32 to vector<16xi32>
      %parallel_loop3A_199 = tpu.vector_load_idx %arg5[%parallel_loop3A_7, %parallel_loop3A_198] : memref<256x64xf32, #tpu.memory_space<vmem>>[vector<16xi32>, vector<16xi32>], vector<16xf32>,
      %parallel_loop3A_200 = arith.constant 16 : i32
      %parallel_loop3A_201 = arith.muli %parallel_loop3A_3, %parallel_loop3A_200 : i32
      %parallel_loop3A_202 = arith.constant 21 : i32
      %parallel_loop3A_203 = arith.index_cast %parallel_loop3A_202 : i32 to index
      %parallel_loop3A_204 = arith.index_cast %parallel_loop3A_201 : i32 to index
      %parallel_loop3A_205 = tpu.vector_load %arg7[%parallel_loop3A_203, %parallel_loop3A_204] {strides = array<i32>} : memref<64x1024xf32, #tpu.memory_space<vmem>>, vector<16xf32>,
      tpu.vector_store %arg7[%parallel_loop3A_203, %parallel_loop3A_204], %parallel_loop3A_199 {strides = array<i32>} : memref<64x1024xf32, #tpu.memory_space<vmem>>, vector<16xf32>,
      %parallel_loop3A_206 = arith.constant 22 : i32
      %parallel_loop3A_207 = vector.broadcast %parallel_loop3A_206 : i32 to vector<16xi32>
      %parallel_loop3A_208 = tpu.vector_load_idx %arg5[%parallel_loop3A_7, %parallel_loop3A_207] : memref<256x64xf32, #tpu.memory_space<vmem>>[vector<16xi32>, vector<16xi32>], vector<16xf32>,
      %parallel_loop3A_209 = arith.constant 16 : i32
      %parallel_loop3A_210 = arith.muli %parallel_loop3A_3, %parallel_loop3A_209 : i32
      %parallel_loop3A_211 = arith.constant 22 : i32
      %parallel_loop3A_212 = arith.index_cast %parallel_loop3A_211 : i32 to index
      %parallel_loop3A_213 = arith.index_cast %parallel_loop3A_210 : i32 to index
      %parallel_loop3A_214 = tpu.vector_load %arg7[%parallel_loop3A_212, %parallel_loop3A_213] {strides = array<i32>} : memref<64x1024xf32, #tpu.memory_space<vmem>>, vector<16xf32>,
      tpu.vector_store %arg7[%parallel_loop3A_212, %parallel_loop3A_213], %parallel_loop3A_208 {strides = array<i32>} : memref<64x1024xf32, #tpu.memory_space<vmem>>, vector<16xf32>,
      %parallel_loop3A_215 = arith.constant 23 : i32
      %parallel_loop3A_216 = vector.broadcast %parallel_loop3A_215 : i32 to vector<16xi32>
      %parallel_loop3A_217 = tpu.vector_load_idx %arg5[%parallel_loop3A_7, %parallel_loop3A_216] : memref<256x64xf32, #tpu.memory_space<vmem>>[vector<16xi32>, vector<16xi32>], vector<16xf32>,
      %parallel_loop3A_218 = arith.constant 16 : i32
      %parallel_loop3A_219 = arith.muli %parallel_loop3A_3, %parallel_loop3A_218 : i32
      %parallel_loop3A_220 = arith.constant 23 : i32
      %parallel_loop3A_221 = arith.index_cast %parallel_loop3A_220 : i32 to index
      %parallel_loop3A_222 = arith.index_cast %parallel_loop3A_219 : i32 to index
      %parallel_loop3A_223 = tpu.vector_load %arg7[%parallel_loop3A_221, %parallel_loop3A_222] {strides = array<i32>} : memref<64x1024xf32, #tpu.memory_space<vmem>>, vector<16xf32>,
      tpu.vector_store %arg7[%parallel_loop3A_221, %parallel_loop3A_222], %parallel_loop3A_217 {strides = array<i32>} : memref<64x1024xf32, #tpu.memory_space<vmem>>, vector<16xf32>,
      %parallel_loop3A_224 = arith.constant 24 : i32
      %parallel_loop3A_225 = vector.broadcast %parallel_loop3A_224 : i32 to vector<16xi32>
      %parallel_loop3A_226 = tpu.vector_load_idx %arg5[%parallel_loop3A_7, %parallel_loop3A_225] : memref<256x64xf32, #tpu.memory_space<vmem>>[vector<16xi32>, vector<16xi32>], vector<16xf32>,
      %parallel_loop3A_227 = arith.constant 16 : i32
      %parallel_loop3A_228 = arith.muli %parallel_loop3A_3, %parallel_loop3A_227 : i32
      %parallel_loop3A_229 = arith.constant 24 : i32
      %parallel_loop3A_230 = arith.index_cast %parallel_loop3A_229 : i32 to index
      %parallel_loop3A_231 = arith.index_cast %parallel_loop3A_228 : i32 to index
      %parallel_loop3A_232 = tpu.vector_load %arg7[%parallel_loop3A_230, %parallel_loop3A_231] {strides = array<i32>} : memref<64x1024xf32, #tpu.memory_space<vmem>>, vector<16xf32>,
      tpu.vector_store %arg7[%parallel_loop3A_230, %parallel_loop3A_231], %parallel_loop3A_226 {strides = array<i32>} : memref<64x1024xf32, #tpu.memory_space<vmem>>, vector<16xf32>,
      %parallel_loop3A_233 = arith.constant 25 : i32
      %parallel_loop3A_234 = vector.broadcast %parallel_loop3A_233 : i32 to vector<16xi32>
      %parallel_loop3A_235 = tpu.vector_load_idx %arg5[%parallel_loop3A_7, %parallel_loop3A_234] : memref<256x64xf32, #tpu.memory_space<vmem>>[vector<16xi32>, vector<16xi32>], vector<16xf32>,
      %parallel_loop3A_236 = arith.constant 16 : i32
      %parallel_loop3A_237 = arith.muli %parallel_loop3A_3, %parallel_loop3A_236 : i32
      %parallel_loop3A_238 = arith.constant 25 : i32
      %parallel_loop3A_239 = arith.index_cast %parallel_loop3A_238 : i32 to index
      %parallel_loop3A_240 = arith.index_cast %parallel_loop3A_237 : i32 to index
      %parallel_loop3A_241 = tpu.vector_load %arg7[%parallel_loop3A_239, %parallel_loop3A_240] {strides = array<i32>} : memref<64x1024xf32, #tpu.memory_space<vmem>>, vector<16xf32>,
      tpu.vector_store %arg7[%parallel_loop3A_239, %parallel_loop3A_240], %parallel_loop3A_235 {strides = array<i32>} : memref<64x1024xf32, #tpu.memory_space<vmem>>, vector<16xf32>,
      %parallel_loop3A_242 = arith.constant 26 : i32
      %parallel_loop3A_243 = vector.broadcast %parallel_loop3A_242 : i32 to vector<16xi32>
      %parallel_loop3A_244 = tpu.vector_load_idx %arg5[%parallel_loop3A_7, %parallel_loop3A_243] : memref<256x64xf32, #tpu.memory_space<vmem>>[vector<16xi32>, vector<16xi32>], vector<16xf32>,
      %parallel_loop3A_245 = arith.constant 16 : i32
      %parallel_loop3A_246 = arith.muli %parallel_loop3A_3, %parallel_loop3A_245 : i32
      %parallel_loop3A_247 = arith.constant 26 : i32
      %parallel_loop3A_248 = arith.index_cast %parallel_loop3A_247 : i32 to index
      %parallel_loop3A_249 = arith.index_cast %parallel_loop3A_246 : i32 to index
      %parallel_loop3A_250 = tpu.vector_load %arg7[%parallel_loop3A_248, %parallel_loop3A_249] {strides = array<i32>} : memref<64x1024xf32, #tpu.memory_space<vmem>>, vector<16xf32>,
      tpu.vector_store %arg7[%parallel_loop3A_248, %parallel_loop3A_249], %parallel_loop3A_244 {strides = array<i32>} : memref<64x1024xf32, #tpu.memory_space<vmem>>, vector<16xf32>,
      %parallel_loop3A_251 = arith.constant 27 : i32
      %parallel_loop3A_252 = vector.broadcast %parallel_loop3A_251 : i32 to vector<16xi32>
      %parallel_loop3A_253 = tpu.vector_load_idx %arg5[%parallel_loop3A_7, %parallel_loop3A_252] : memref<256x64xf32, #tpu.memory_space<vmem>>[vector<16xi32>, vector<16xi32>], vector<16xf32>,
      %parallel_loop3A_254 = arith.constant 16 : i32
      %parallel_loop3A_255 = arith.muli %parallel_loop3A_3, %parallel_loop3A_254 : i32
      %parallel_loop3A_256 = arith.constant 27 : i32
      %parallel_loop3A_257 = arith.index_cast %parallel_loop3A_256 : i32 to index
      %parallel_loop3A_258 = arith.index_cast %parallel_loop3A_255 : i32 to index
      %parallel_loop3A_259 = tpu.vector_load %arg7[%parallel_loop3A_257, %parallel_loop3A_258] {strides = array<i32>} : memref<64x1024xf32, #tpu.memory_space<vmem>>, vector<16xf32>,
      tpu.vector_store %arg7[%parallel_loop3A_257, %parallel_loop3A_258], %parallel_loop3A_253 {strides = array<i32>} : memref<64x1024xf32, #tpu.memory_space<vmem>>, vector<16xf32>,
      %parallel_loop3A_260 = arith.constant 28 : i32
      %parallel_loop3A_261 = vector.broadcast %parallel_loop3A_260 : i32 to vector<16xi32>
      %parallel_loop3A_262 = tpu.vector_load_idx %arg5[%parallel_loop3A_7, %parallel_loop3A_261] : memref<256x64xf32, #tpu.memory_space<vmem>>[vector<16xi32>, vector<16xi32>], vector<16xf32>,
      %parallel_loop3A_263 = arith.constant 16 : i32
      %parallel_loop3A_264 = arith.muli %parallel_loop3A_3, %parallel_loop3A_263 : i32
      %parallel_loop3A_265 = arith.constant 28 : i32
      %parallel_loop3A_266 = arith.index_cast %parallel_loop3A_265 : i32 to index
      %parallel_loop3A_267 = arith.index_cast %parallel_loop3A_264 : i32 to index
      %parallel_loop3A_268 = tpu.vector_load %arg7[%parallel_loop3A_266, %parallel_loop3A_267] {strides = array<i32>} : memref<64x1024xf32, #tpu.memory_space<vmem>>, vector<16xf32>,
      tpu.vector_store %arg7[%parallel_loop3A_266, %parallel_loop3A_267], %parallel_loop3A_262 {strides = array<i32>} : memref<64x1024xf32, #tpu.memory_space<vmem>>, vector<16xf32>,
      %parallel_loop3A_269 = arith.constant 29 : i32
      %parallel_loop3A_270 = vector.broadcast %parallel_loop3A_269 : i32 to vector<16xi32>
      %parallel_loop3A_271 = tpu.vector_load_idx %arg5[%parallel_loop3A_7, %parallel_loop3A_270] : memref<256x64xf32, #tpu.memory_space<vmem>>[vector<16xi32>, vector<16xi32>], vector<16xf32>,
      %parallel_loop3A_272 = arith.constant 16 : i32
      %parallel_loop3A_273 = arith.muli %parallel_loop3A_3, %parallel_loop3A_272 : i32
      %parallel_loop3A_274 = arith.constant 29 : i32
      %parallel_loop3A_275 = arith.index_cast %parallel_loop3A_274 : i32 to index
      %parallel_loop3A_276 = arith.index_cast %parallel_loop3A_273 : i32 to index
      %parallel_loop3A_277 = tpu.vector_load %arg7[%parallel_loop3A_275, %parallel_loop3A_276] {strides = array<i32>} : memref<64x1024xf32, #tpu.memory_space<vmem>>, vector<16xf32>,
      tpu.vector_store %arg7[%parallel_loop3A_275, %parallel_loop3A_276], %parallel_loop3A_271 {strides = array<i32>} : memref<64x1024xf32, #tpu.memory_space<vmem>>, vector<16xf32>,
      %parallel_loop3A_278 = arith.constant 30 : i32
      %parallel_loop3A_279 = vector.broadcast %parallel_loop3A_278 : i32 to vector<16xi32>
      %parallel_loop3A_280 = tpu.vector_load_idx %arg5[%parallel_loop3A_7, %parallel_loop3A_279] : memref<256x64xf32, #tpu.memory_space<vmem>>[vector<16xi32>, vector<16xi32>], vector<16xf32>,
      %parallel_loop3A_281 = arith.constant 16 : i32
      %parallel_loop3A_282 = arith.muli %parallel_loop3A_3, %parallel_loop3A_281 : i32
      %parallel_loop3A_283 = arith.constant 30 : i32
      %parallel_loop3A_284 = arith.index_cast %parallel_loop3A_283 : i32 to index
      %parallel_loop3A_285 = arith.index_cast %parallel_loop3A_282 : i32 to index
      %parallel_loop3A_286 = tpu.vector_load %arg7[%parallel_loop3A_284, %parallel_loop3A_285] {strides = array<i32>} : memref<64x1024xf32, #tpu.memory_space<vmem>>, vector<16xf32>,
      tpu.vector_store %arg7[%parallel_loop3A_284, %parallel_loop3A_285], %parallel_loop3A_280 {strides = array<i32>} : memref<64x1024xf32, #tpu.memory_space<vmem>>, vector<16xf32>,
      %parallel_loop3A_287 = arith.constant 31 : i32
      %parallel_loop3A_288 = vector.broadcast %parallel_loop3A_287 : i32 to vector<16xi32>
      %parallel_loop3A_289 = tpu.vector_load_idx %arg5[%parallel_loop3A_7, %parallel_loop3A_288] : memref<256x64xf32, #tpu.memory_space<vmem>>[vector<16xi32>, vector<16xi32>], vector<16xf32>,
      %parallel_loop3A_290 = arith.constant 16 : i32
      %parallel_loop3A_291 = arith.muli %parallel_loop3A_3, %parallel_loop3A_290 : i32
      %parallel_loop3A_292 = arith.constant 31 : i32
      %parallel_loop3A_293 = arith.index_cast %parallel_loop3A_292 : i32 to index
      %parallel_loop3A_294 = arith.index_cast %parallel_loop3A_291 : i32 to index
      %parallel_loop3A_295 = tpu.vector_load %arg7[%parallel_loop3A_293, %parallel_loop3A_294] {strides = array<i32>} : memref<64x1024xf32, #tpu.memory_space<vmem>>, vector<16xf32>,
      tpu.vector_store %arg7[%parallel_loop3A_293, %parallel_loop3A_294], %parallel_loop3A_289 {strides = array<i32>} : memref<64x1024xf32, #tpu.memory_space<vmem>>, vector<16xf32>,
      %parallel_loop3A_296 = arith.constant 32 : i32
      %parallel_loop3A_297 = vector.broadcast %parallel_loop3A_296 : i32 to vector<16xi32>
      %parallel_loop3A_298 = tpu.vector_load_idx %arg5[%parallel_loop3A_7, %parallel_loop3A_297] : memref<256x64xf32, #tpu.memory_space<vmem>>[vector<16xi32>, vector<16xi32>], vector<16xf32>,
      %parallel_loop3A_299 = arith.constant 16 : i32
      %parallel_loop3A_300 = arith.muli %parallel_loop3A_3, %parallel_loop3A_299 : i32
      %parallel_loop3A_301 = arith.constant 32 : i32
      %parallel_loop3A_302 = arith.index_cast %parallel_loop3A_301 : i32 to index
      %parallel_loop3A_303 = arith.index_cast %parallel_loop3A_300 : i32 to index
      %parallel_loop3A_304 = tpu.vector_load %arg7[%parallel_loop3A_302, %parallel_loop3A_303] {strides = array<i32>} : memref<64x1024xf32, #tpu.memory_space<vmem>>, vector<16xf32>,
      tpu.vector_store %arg7[%parallel_loop3A_302, %parallel_loop3A_303], %parallel_loop3A_298 {strides = array<i32>} : memref<64x1024xf32, #tpu.memory_space<vmem>>, vector<16xf32>,
      %parallel_loop3A_305 = arith.constant 33 : i32
      %parallel_loop3A_306 = vector.broadcast %parallel_loop3A_305 : i32 to vector<16xi32>
      %parallel_loop3A_307 = tpu.vector_load_idx %arg5[%parallel_loop3A_7, %parallel_loop3A_306] : memref<256x64xf32, #tpu.memory_space<vmem>>[vector<16xi32>, vector<16xi32>], vector<16xf32>,
      %parallel_loop3A_308 = arith.constant 16 : i32
      %parallel_loop3A_309 = arith.muli %parallel_loop3A_3, %parallel_loop3A_308 : i32
      %parallel_loop3A_310 = arith.constant 33 : i32
      %parallel_loop3A_311 = arith.index_cast %parallel_loop3A_310 : i32 to index
      %parallel_loop3A_312 = arith.index_cast %parallel_loop3A_309 : i32 to index
      %parallel_loop3A_313 = tpu.vector_load %arg7[%parallel_loop3A_311, %parallel_loop3A_312] {strides = array<i32>} : memref<64x1024xf32, #tpu.memory_space<vmem>>, vector<16xf32>,
      tpu.vector_store %arg7[%parallel_loop3A_311, %parallel_loop3A_312], %parallel_loop3A_307 {strides = array<i32>} : memref<64x1024xf32, #tpu.memory_space<vmem>>, vector<16xf32>,
      %parallel_loop3A_314 = arith.constant 34 : i32
      %parallel_loop3A_315 = vector.broadcast %parallel_loop3A_314 : i32 to vector<16xi32>
      %parallel_loop3A_316 = tpu.vector_load_idx %arg5[%parallel_loop3A_7, %parallel_loop3A_315] : memref<256x64xf32, #tpu.memory_space<vmem>>[vector<16xi32>, vector<16xi32>], vector<16xf32>,
      %parallel_loop3A_317 = arith.constant 16 : i32
      %parallel_loop3A_318 = arith.muli %parallel_loop3A_3, %parallel_loop3A_317 : i32
      %parallel_loop3A_319 = arith.constant 34 : i32
      %parallel_loop3A_320 = arith.index_cast %parallel_loop3A_319 : i32 to index
      %parallel_loop3A_321 = arith.index_cast %parallel_loop3A_318 : i32 to index
      %parallel_loop3A_322 = tpu.vector_load %arg7[%parallel_loop3A_320, %parallel_loop3A_321] {strides = array<i32>} : memref<64x1024xf32, #tpu.memory_space<vmem>>, vector<16xf32>,
      tpu.vector_store %arg7[%parallel_loop3A_320, %parallel_loop3A_321], %parallel_loop3A_316 {strides = array<i32>} : memref<64x1024xf32, #tpu.memory_space<vmem>>, vector<16xf32>,
      %parallel_loop3A_323 = arith.constant 35 : i32
      %parallel_loop3A_324 = vector.broadcast %parallel_loop3A_323 : i32 to vector<16xi32>
      %parallel_loop3A_325 = tpu.vector_load_idx %arg5[%parallel_loop3A_7, %parallel_loop3A_324] : memref<256x64xf32, #tpu.memory_space<vmem>>[vector<16xi32>, vector<16xi32>], vector<16xf32>,
      %parallel_loop3A_326 = arith.constant 16 : i32
      %parallel_loop3A_327 = arith.muli %parallel_loop3A_3, %parallel_loop3A_326 : i32
      %parallel_loop3A_328 = arith.constant 35 : i32
      %parallel_loop3A_329 = arith.index_cast %parallel_loop3A_328 : i32 to index
      %parallel_loop3A_330 = arith.index_cast %parallel_loop3A_327 : i32 to index
      %parallel_loop3A_331 = tpu.vector_load %arg7[%parallel_loop3A_329, %parallel_loop3A_330] {strides = array<i32>} : memref<64x1024xf32, #tpu.memory_space<vmem>>, vector<16xf32>,
      tpu.vector_store %arg7[%parallel_loop3A_329, %parallel_loop3A_330], %parallel_loop3A_325 {strides = array<i32>} : memref<64x1024xf32, #tpu.memory_space<vmem>>, vector<16xf32>,
      %parallel_loop3A_332 = arith.constant 36 : i32
      %parallel_loop3A_333 = vector.broadcast %parallel_loop3A_332 : i32 to vector<16xi32>
      %parallel_loop3A_334 = tpu.vector_load_idx %arg5[%parallel_loop3A_7, %parallel_loop3A_333] : memref<256x64xf32, #tpu.memory_space<vmem>>[vector<16xi32>, vector<16xi32>], vector<16xf32>,
      %parallel_loop3A_335 = arith.constant 16 : i32
      %parallel_loop3A_336 = arith.muli %parallel_loop3A_3, %parallel_loop3A_335 : i32
      %parallel_loop3A_337 = arith.constant 36 : i32
      %parallel_loop3A_338 = arith.index_cast %parallel_loop3A_337 : i32 to index
      %parallel_loop3A_339 = arith.index_cast %parallel_loop3A_336 : i32 to index
      %parallel_loop3A_340 = tpu.vector_load %arg7[%parallel_loop3A_338, %parallel_loop3A_339] {strides = array<i32>} : memref<64x1024xf32, #tpu.memory_space<vmem>>, vector<16xf32>,
      tpu.vector_store %arg7[%parallel_loop3A_338, %parallel_loop3A_339], %parallel_loop3A_334 {strides = array<i32>} : memref<64x1024xf32, #tpu.memory_space<vmem>>, vector<16xf32>,
      %parallel_loop3A_341 = arith.constant 37 : i32
      %parallel_loop3A_342 = vector.broadcast %parallel_loop3A_341 : i32 to vector<16xi32>
      %parallel_loop3A_343 = tpu.vector_load_idx %arg5[%parallel_loop3A_7, %parallel_loop3A_342] : memref<256x64xf32, #tpu.memory_space<vmem>>[vector<16xi32>, vector<16xi32>], vector<16xf32>,
      %parallel_loop3A_344 = arith.constant 16 : i32
      %parallel_loop3A_345 = arith.muli %parallel_loop3A_3, %parallel_loop3A_344 : i32
      %parallel_loop3A_346 = arith.constant 37 : i32
      %parallel_loop3A_347 = arith.index_cast %parallel_loop3A_346 : i32 to index
      %parallel_loop3A_348 = arith.index_cast %parallel_loop3A_345 : i32 to index
      %parallel_loop3A_349 = tpu.vector_load %arg7[%parallel_loop3A_347, %parallel_loop3A_348] {strides = array<i32>} : memref<64x1024xf32, #tpu.memory_space<vmem>>, vector<16xf32>,
      tpu.vector_store %arg7[%parallel_loop3A_347, %parallel_loop3A_348], %parallel_loop3A_343 {strides = array<i32>} : memref<64x1024xf32, #tpu.memory_space<vmem>>, vector<16xf32>,
      %parallel_loop3A_350 = arith.constant 38 : i32
      %parallel_loop3A_351 = vector.broadcast %parallel_loop3A_350 : i32 to vector<16xi32>
      %parallel_loop3A_352 = tpu.vector_load_idx %arg5[%parallel_loop3A_7, %parallel_loop3A_351] : memref<256x64xf32, #tpu.memory_space<vmem>>[vector<16xi32>, vector<16xi32>], vector<16xf32>,
      %parallel_loop3A_353 = arith.constant 16 : i32
      %parallel_loop3A_354 = arith.muli %parallel_loop3A_3, %parallel_loop3A_353 : i32
      %parallel_loop3A_355 = arith.constant 38 : i32
      %parallel_loop3A_356 = arith.index_cast %parallel_loop3A_355 : i32 to index
      %parallel_loop3A_357 = arith.index_cast %parallel_loop3A_354 : i32 to index
      %parallel_loop3A_358 = tpu.vector_load %arg7[%parallel_loop3A_356, %parallel_loop3A_357] {strides = array<i32>} : memref<64x1024xf32, #tpu.memory_space<vmem>>, vector<16xf32>,
      tpu.vector_store %arg7[%parallel_loop3A_356, %parallel_loop3A_357], %parallel_loop3A_352 {strides = array<i32>} : memref<64x1024xf32, #tpu.memory_space<vmem>>, vector<16xf32>,
      %parallel_loop3A_359 = arith.constant 39 : i32
      %parallel_loop3A_360 = vector.broadcast %parallel_loop3A_359 : i32 to vector<16xi32>
      %parallel_loop3A_361 = tpu.vector_load_idx %arg5[%parallel_loop3A_7, %parallel_loop3A_360] : memref<256x64xf32, #tpu.memory_space<vmem>>[vector<16xi32>, vector<16xi32>], vector<16xf32>,
      %parallel_loop3A_362 = arith.constant 16 : i32
      %parallel_loop3A_363 = arith.muli %parallel_loop3A_3, %parallel_loop3A_362 : i32
      %parallel_loop3A_364 = arith.constant 39 : i32
      %parallel_loop3A_365 = arith.index_cast %parallel_loop3A_364 : i32 to index
      %parallel_loop3A_366 = arith.index_cast %parallel_loop3A_363 : i32 to index
      %parallel_loop3A_367 = tpu.vector_load %arg7[%parallel_loop3A_365, %parallel_loop3A_366] {strides = array<i32>} : memref<64x1024xf32, #tpu.memory_space<vmem>>, vector<16xf32>,
      tpu.vector_store %arg7[%parallel_loop3A_365, %parallel_loop3A_366], %parallel_loop3A_361 {strides = array<i32>} : memref<64x1024xf32, #tpu.memory_space<vmem>>, vector<16xf32>,
      %parallel_loop3A_368 = arith.constant 40 : i32
      %parallel_loop3A_369 = vector.broadcast %parallel_loop3A_368 : i32 to vector<16xi32>
      %parallel_loop3A_370 = tpu.vector_load_idx %arg5[%parallel_loop3A_7, %parallel_loop3A_369] : memref<256x64xf32, #tpu.memory_space<vmem>>[vector<16xi32>, vector<16xi32>], vector<16xf32>,
      %parallel_loop3A_371 = arith.constant 16 : i32
      %parallel_loop3A_372 = arith.muli %parallel_loop3A_3, %parallel_loop3A_371 : i32
      %parallel_loop3A_373 = arith.constant 40 : i32
      %parallel_loop3A_374 = arith.index_cast %parallel_loop3A_373 : i32 to index
      %parallel_loop3A_375 = arith.index_cast %parallel_loop3A_372 : i32 to index
      %parallel_loop3A_376 = tpu.vector_load %arg7[%parallel_loop3A_374, %parallel_loop3A_375] {strides = array<i32>} : memref<64x1024xf32, #tpu.memory_space<vmem>>, vector<16xf32>,
      tpu.vector_store %arg7[%parallel_loop3A_374, %parallel_loop3A_375], %parallel_loop3A_370 {strides = array<i32>} : memref<64x1024xf32, #tpu.memory_space<vmem>>, vector<16xf32>,
      %parallel_loop3A_377 = arith.constant 41 : i32
      %parallel_loop3A_378 = vector.broadcast %parallel_loop3A_377 : i32 to vector<16xi32>
      %parallel_loop3A_379 = tpu.vector_load_idx %arg5[%parallel_loop3A_7, %parallel_loop3A_378] : memref<256x64xf32, #tpu.memory_space<vmem>>[vector<16xi32>, vector<16xi32>], vector<16xf32>,
      %parallel_loop3A_380 = arith.constant 16 : i32
      %parallel_loop3A_381 = arith.muli %parallel_loop3A_3, %parallel_loop3A_380 : i32
      %parallel_loop3A_382 = arith.constant 41 : i32
      %parallel_loop3A_383 = arith.index_cast %parallel_loop3A_382 : i32 to index
      %parallel_loop3A_384 = arith.index_cast %parallel_loop3A_381 : i32 to index
      %parallel_loop3A_385 = tpu.vector_load %arg7[%parallel_loop3A_383, %parallel_loop3A_384] {strides = array<i32>} : memref<64x1024xf32, #tpu.memory_space<vmem>>, vector<16xf32>,
      tpu.vector_store %arg7[%parallel_loop3A_383, %parallel_loop3A_384], %parallel_loop3A_379 {strides = array<i32>} : memref<64x1024xf32, #tpu.memory_space<vmem>>, vector<16xf32>,
      %parallel_loop3A_386 = arith.constant 42 : i32
      %parallel_loop3A_387 = vector.broadcast %parallel_loop3A_386 : i32 to vector<16xi32>
      %parallel_loop3A_388 = tpu.vector_load_idx %arg5[%parallel_loop3A_7, %parallel_loop3A_387] : memref<256x64xf32, #tpu.memory_space<vmem>>[vector<16xi32>, vector<16xi32>], vector<16xf32>,
      %parallel_loop3A_389 = arith.constant 16 : i32
      %parallel_loop3A_390 = arith.muli %parallel_loop3A_3, %parallel_loop3A_389 : i32
      %parallel_loop3A_391 = arith.constant 42 : i32
      %parallel_loop3A_392 = arith.index_cast %parallel_loop3A_391 : i32 to index
      %parallel_loop3A_393 = arith.index_cast %parallel_loop3A_390 : i32 to index
      %parallel_loop3A_394 = tpu.vector_load %arg7[%parallel_loop3A_392, %parallel_loop3A_393] {strides = array<i32>} : memref<64x1024xf32, #tpu.memory_space<vmem>>, vector<16xf32>,
      tpu.vector_store %arg7[%parallel_loop3A_392, %parallel_loop3A_393], %parallel_loop3A_388 {strides = array<i32>} : memref<64x1024xf32, #tpu.memory_space<vmem>>, vector<16xf32>,
      %parallel_loop3A_395 = arith.constant 43 : i32
      %parallel_loop3A_396 = vector.broadcast %parallel_loop3A_395 : i32 to vector<16xi32>
      %parallel_loop3A_397 = tpu.vector_load_idx %arg5[%parallel_loop3A_7, %parallel_loop3A_396] : memref<256x64xf32, #tpu.memory_space<vmem>>[vector<16xi32>, vector<16xi32>], vector<16xf32>,
      %parallel_loop3A_398 = arith.constant 16 : i32
      %parallel_loop3A_399 = arith.muli %parallel_loop3A_3, %parallel_loop3A_398 : i32
      %parallel_loop3A_400 = arith.constant 43 : i32
      %parallel_loop3A_401 = arith.index_cast %parallel_loop3A_400 : i32 to index
      %parallel_loop3A_402 = arith.index_cast %parallel_loop3A_399 : i32 to index
      %parallel_loop3A_403 = tpu.vector_load %arg7[%parallel_loop3A_401, %parallel_loop3A_402] {strides = array<i32>} : memref<64x1024xf32, #tpu.memory_space<vmem>>, vector<16xf32>,
      tpu.vector_store %arg7[%parallel_loop3A_401, %parallel_loop3A_402], %parallel_loop3A_397 {strides = array<i32>} : memref<64x1024xf32, #tpu.memory_space<vmem>>, vector<16xf32>,
      %parallel_loop3A_404 = arith.constant 44 : i32
      %parallel_loop3A_405 = vector.broadcast %parallel_loop3A_404 : i32 to vector<16xi32>
      %parallel_loop3A_406 = tpu.vector_load_idx %arg5[%parallel_loop3A_7, %parallel_loop3A_405] : memref<256x64xf32, #tpu.memory_space<vmem>>[vector<16xi32>, vector<16xi32>], vector<16xf32>,
      %parallel_loop3A_407 = arith.constant 16 : i32
      %parallel_loop3A_408 = arith.muli %parallel_loop3A_3, %parallel_loop3A_407 : i32
      %parallel_loop3A_409 = arith.constant 44 : i32
      %parallel_loop3A_410 = arith.index_cast %parallel_loop3A_409 : i32 to index
      %parallel_loop3A_411 = arith.index_cast %parallel_loop3A_408 : i32 to index
      %parallel_loop3A_412 = tpu.vector_load %arg7[%parallel_loop3A_410, %parallel_loop3A_411] {strides = array<i32>} : memref<64x1024xf32, #tpu.memory_space<vmem>>, vector<16xf32>,
      tpu.vector_store %arg7[%parallel_loop3A_410, %parallel_loop3A_411], %parallel_loop3A_406 {strides = array<i32>} : memref<64x1024xf32, #tpu.memory_space<vmem>>, vector<16xf32>,
      %parallel_loop3A_413 = arith.constant 45 : i32
      %parallel_loop3A_414 = vector.broadcast %parallel_loop3A_413 : i32 to vector<16xi32>
      %parallel_loop3A_415 = tpu.vector_load_idx %arg5[%parallel_loop3A_7, %parallel_loop3A_414] : memref<256x64xf32, #tpu.memory_space<vmem>>[vector<16xi32>, vector<16xi32>], vector<16xf32>,
      %parallel_loop3A_416 = arith.constant 16 : i32
      %parallel_loop3A_417 = arith.muli %parallel_loop3A_3, %parallel_loop3A_416 : i32
      %parallel_loop3A_418 = arith.constant 45 : i32
      %parallel_loop3A_419 = arith.index_cast %parallel_loop3A_418 : i32 to index
      %parallel_loop3A_420 = arith.index_cast %parallel_loop3A_417 : i32 to index
      %parallel_loop3A_421 = tpu.vector_load %arg7[%parallel_loop3A_419, %parallel_loop3A_420] {strides = array<i32>} : memref<64x1024xf32, #tpu.memory_space<vmem>>, vector<16xf32>,
      tpu.vector_store %arg7[%parallel_loop3A_419, %parallel_loop3A_420], %parallel_loop3A_415 {strides = array<i32>} : memref<64x1024xf32, #tpu.memory_space<vmem>>, vector<16xf32>,
      %parallel_loop3A_422 = arith.constant 46 : i32
      %parallel_loop3A_423 = vector.broadcast %parallel_loop3A_422 : i32 to vector<16xi32>
      %parallel_loop3A_424 = tpu.vector_load_idx %arg5[%parallel_loop3A_7, %parallel_loop3A_423] : memref<256x64xf32, #tpu.memory_space<vmem>>[vector<16xi32>, vector<16xi32>], vector<16xf32>,
      %parallel_loop3A_425 = arith.constant 16 : i32
      %parallel_loop3A_426 = arith.muli %parallel_loop3A_3, %parallel_loop3A_425 : i32
      %parallel_loop3A_427 = arith.constant 46 : i32
      %parallel_loop3A_428 = arith.index_cast %parallel_loop3A_427 : i32 to index
      %parallel_loop3A_429 = arith.index_cast %parallel_loop3A_426 : i32 to index
      %parallel_loop3A_430 = tpu.vector_load %arg7[%parallel_loop3A_428, %parallel_loop3A_429] {strides = array<i32>} : memref<64x1024xf32, #tpu.memory_space<vmem>>, vector<16xf32>,
      tpu.vector_store %arg7[%parallel_loop3A_428, %parallel_loop3A_429], %parallel_loop3A_424 {strides = array<i32>} : memref<64x1024xf32, #tpu.memory_space<vmem>>, vector<16xf32>,
      %parallel_loop3A_431 = arith.constant 47 : i32
      %parallel_loop3A_432 = vector.broadcast %parallel_loop3A_431 : i32 to vector<16xi32>
      %parallel_loop3A_433 = tpu.vector_load_idx %arg5[%parallel_loop3A_7, %parallel_loop3A_432] : memref<256x64xf32, #tpu.memory_space<vmem>>[vector<16xi32>, vector<16xi32>], vector<16xf32>,
      %parallel_loop3A_434 = arith.constant 16 : i32
      %parallel_loop3A_435 = arith.muli %parallel_loop3A_3, %parallel_loop3A_434 : i32
      %parallel_loop3A_436 = arith.constant 47 : i32
      %parallel_loop3A_437 = arith.index_cast %parallel_loop3A_436 : i32 to index
      %parallel_loop3A_438 = arith.index_cast %parallel_loop3A_435 : i32 to index
      %parallel_loop3A_439 = tpu.vector_load %arg7[%parallel_loop3A_437, %parallel_loop3A_438] {strides = array<i32>} : memref<64x1024xf32, #tpu.memory_space<vmem>>, vector<16xf32>,
      tpu.vector_store %arg7[%parallel_loop3A_437, %parallel_loop3A_438], %parallel_loop3A_433 {strides = array<i32>} : memref<64x1024xf32, #tpu.memory_space<vmem>>, vector<16xf32>,
      %parallel_loop3A_440 = arith.constant 48 : i32
      %parallel_loop3A_441 = vector.broadcast %parallel_loop3A_440 : i32 to vector<16xi32>
      %parallel_loop3A_442 = tpu.vector_load_idx %arg5[%parallel_loop3A_7, %parallel_loop3A_441] : memref<256x64xf32, #tpu.memory_space<vmem>>[vector<16xi32>, vector<16xi32>], vector<16xf32>,
      %parallel_loop3A_443 = arith.constant 16 : i32
      %parallel_loop3A_444 = arith.muli %parallel_loop3A_3, %parallel_loop3A_443 : i32
      %parallel_loop3A_445 = arith.constant 48 : i32
      %parallel_loop3A_446 = arith.index_cast %parallel_loop3A_445 : i32 to index
      %parallel_loop3A_447 = arith.index_cast %parallel_loop3A_444 : i32 to index
      %parallel_loop3A_448 = tpu.vector_load %arg7[%parallel_loop3A_446, %parallel_loop3A_447] {strides = array<i32>} : memref<64x1024xf32, #tpu.memory_space<vmem>>, vector<16xf32>,
      tpu.vector_store %arg7[%parallel_loop3A_446, %parallel_loop3A_447], %parallel_loop3A_442 {strides = array<i32>} : memref<64x1024xf32, #tpu.memory_space<vmem>>, vector<16xf32>,
      %parallel_loop3A_449 = arith.constant 49 : i32
      %parallel_loop3A_450 = vector.broadcast %parallel_loop3A_449 : i32 to vector<16xi32>
      %parallel_loop3A_451 = tpu.vector_load_idx %arg5[%parallel_loop3A_7, %parallel_loop3A_450] : memref<256x64xf32, #tpu.memory_space<vmem>>[vector<16xi32>, vector<16xi32>], vector<16xf32>,
      %parallel_loop3A_452 = arith.constant 16 : i32
      %parallel_loop3A_453 = arith.muli %parallel_loop3A_3, %parallel_loop3A_452 : i32
      %parallel_loop3A_454 = arith.constant 49 : i32
      %parallel_loop3A_455 = arith.index_cast %parallel_loop3A_454 : i32 to index
      %parallel_loop3A_456 = arith.index_cast %parallel_loop3A_453 : i32 to index
      %parallel_loop3A_457 = tpu.vector_load %arg7[%parallel_loop3A_455, %parallel_loop3A_456] {strides = array<i32>} : memref<64x1024xf32, #tpu.memory_space<vmem>>, vector<16xf32>,
      tpu.vector_store %arg7[%parallel_loop3A_455, %parallel_loop3A_456], %parallel_loop3A_451 {strides = array<i32>} : memref<64x1024xf32, #tpu.memory_space<vmem>>, vector<16xf32>,
      %parallel_loop3A_458 = arith.constant 50 : i32
      %parallel_loop3A_459 = vector.broadcast %parallel_loop3A_458 : i32 to vector<16xi32>
      %parallel_loop3A_460 = tpu.vector_load_idx %arg5[%parallel_loop3A_7, %parallel_loop3A_459] : memref<256x64xf32, #tpu.memory_space<vmem>>[vector<16xi32>, vector<16xi32>], vector<16xf32>,
      %parallel_loop3A_461 = arith.constant 16 : i32
      %parallel_loop3A_462 = arith.muli %parallel_loop3A_3, %parallel_loop3A_461 : i32
      %parallel_loop3A_463 = arith.constant 50 : i32
      %parallel_loop3A_464 = arith.index_cast %parallel_loop3A_463 : i32 to index
      %parallel_loop3A_465 = arith.index_cast %parallel_loop3A_462 : i32 to index
      %parallel_loop3A_466 = tpu.vector_load %arg7[%parallel_loop3A_464, %parallel_loop3A_465] {strides = array<i32>} : memref<64x1024xf32, #tpu.memory_space<vmem>>, vector<16xf32>,
      tpu.vector_store %arg7[%parallel_loop3A_464, %parallel_loop3A_465], %parallel_loop3A_460 {strides = array<i32>} : memref<64x1024xf32, #tpu.memory_space<vmem>>, vector<16xf32>,
      %parallel_loop3A_467 = arith.constant 51 : i32
      %parallel_loop3A_468 = vector.broadcast %parallel_loop3A_467 : i32 to vector<16xi32>
      %parallel_loop3A_469 = tpu.vector_load_idx %arg5[%parallel_loop3A_7, %parallel_loop3A_468] : memref<256x64xf32, #tpu.memory_space<vmem>>[vector<16xi32>, vector<16xi32>], vector<16xf32>,
      %parallel_loop3A_470 = arith.constant 16 : i32
      %parallel_loop3A_471 = arith.muli %parallel_loop3A_3, %parallel_loop3A_470 : i32
      %parallel_loop3A_472 = arith.constant 51 : i32
      %parallel_loop3A_473 = arith.index_cast %parallel_loop3A_472 : i32 to index
      %parallel_loop3A_474 = arith.index_cast %parallel_loop3A_471 : i32 to index
      %parallel_loop3A_475 = tpu.vector_load %arg7[%parallel_loop3A_473, %parallel_loop3A_474] {strides = array<i32>} : memref<64x1024xf32, #tpu.memory_space<vmem>>, vector<16xf32>,
      tpu.vector_store %arg7[%parallel_loop3A_473, %parallel_loop3A_474], %parallel_loop3A_469 {strides = array<i32>} : memref<64x1024xf32, #tpu.memory_space<vmem>>, vector<16xf32>,
      %parallel_loop3A_476 = arith.constant 52 : i32
      %parallel_loop3A_477 = vector.broadcast %parallel_loop3A_476 : i32 to vector<16xi32>
      %parallel_loop3A_478 = tpu.vector_load_idx %arg5[%parallel_loop3A_7, %parallel_loop3A_477] : memref<256x64xf32, #tpu.memory_space<vmem>>[vector<16xi32>, vector<16xi32>], vector<16xf32>,
      %parallel_loop3A_479 = arith.constant 16 : i32
      %parallel_loop3A_480 = arith.muli %parallel_loop3A_3, %parallel_loop3A_479 : i32
      %parallel_loop3A_481 = arith.constant 52 : i32
      %parallel_loop3A_482 = arith.index_cast %parallel_loop3A_481 : i32 to index
      %parallel_loop3A_483 = arith.index_cast %parallel_loop3A_480 : i32 to index
      %parallel_loop3A_484 = tpu.vector_load %arg7[%parallel_loop3A_482, %parallel_loop3A_483] {strides = array<i32>} : memref<64x1024xf32, #tpu.memory_space<vmem>>, vector<16xf32>,
      tpu.vector_store %arg7[%parallel_loop3A_482, %parallel_loop3A_483], %parallel_loop3A_478 {strides = array<i32>} : memref<64x1024xf32, #tpu.memory_space<vmem>>, vector<16xf32>,
      %parallel_loop3A_485 = arith.constant 53 : i32
      %parallel_loop3A_486 = vector.broadcast %parallel_loop3A_485 : i32 to vector<16xi32>
      %parallel_loop3A_487 = tpu.vector_load_idx %arg5[%parallel_loop3A_7, %parallel_loop3A_486] : memref<256x64xf32, #tpu.memory_space<vmem>>[vector<16xi32>, vector<16xi32>], vector<16xf32>,
      %parallel_loop3A_488 = arith.constant 16 : i32
      %parallel_loop3A_489 = arith.muli %parallel_loop3A_3, %parallel_loop3A_488 : i32
      %parallel_loop3A_490 = arith.constant 53 : i32
      %parallel_loop3A_491 = arith.index_cast %parallel_loop3A_490 : i32 to index
      %parallel_loop3A_492 = arith.index_cast %parallel_loop3A_489 : i32 to index
      %parallel_loop3A_493 = tpu.vector_load %arg7[%parallel_loop3A_491, %parallel_loop3A_492] {strides = array<i32>} : memref<64x1024xf32, #tpu.memory_space<vmem>>, vector<16xf32>,
      tpu.vector_store %arg7[%parallel_loop3A_491, %parallel_loop3A_492], %parallel_loop3A_487 {strides = array<i32>} : memref<64x1024xf32, #tpu.memory_space<vmem>>, vector<16xf32>,
      %parallel_loop3A_494 = arith.constant 54 : i32
      %parallel_loop3A_495 = vector.broadcast %parallel_loop3A_494 : i32 to vector<16xi32>
      %parallel_loop3A_496 = tpu.vector_load_idx %arg5[%parallel_loop3A_7, %parallel_loop3A_495] : memref<256x64xf32, #tpu.memory_space<vmem>>[vector<16xi32>, vector<16xi32>], vector<16xf32>,
      %parallel_loop3A_497 = arith.constant 16 : i32
      %parallel_loop3A_498 = arith.muli %parallel_loop3A_3, %parallel_loop3A_497 : i32
      %parallel_loop3A_499 = arith.constant 54 : i32
      %parallel_loop3A_500 = arith.index_cast %parallel_loop3A_499 : i32 to index
      %parallel_loop3A_501 = arith.index_cast %parallel_loop3A_498 : i32 to index
      %parallel_loop3A_502 = tpu.vector_load %arg7[%parallel_loop3A_500, %parallel_loop3A_501] {strides = array<i32>} : memref<64x1024xf32, #tpu.memory_space<vmem>>, vector<16xf32>,
      tpu.vector_store %arg7[%parallel_loop3A_500, %parallel_loop3A_501], %parallel_loop3A_496 {strides = array<i32>} : memref<64x1024xf32, #tpu.memory_space<vmem>>, vector<16xf32>,
      %parallel_loop3A_503 = arith.constant 55 : i32
      %parallel_loop3A_504 = vector.broadcast %parallel_loop3A_503 : i32 to vector<16xi32>
      %parallel_loop3A_505 = tpu.vector_load_idx %arg5[%parallel_loop3A_7, %parallel_loop3A_504] : memref<256x64xf32, #tpu.memory_space<vmem>>[vector<16xi32>, vector<16xi32>], vector<16xf32>,
      %parallel_loop3A_506 = arith.constant 16 : i32
      %parallel_loop3A_507 = arith.muli %parallel_loop3A_3, %parallel_loop3A_506 : i32
      %parallel_loop3A_508 = arith.constant 55 : i32
      %parallel_loop3A_509 = arith.index_cast %parallel_loop3A_508 : i32 to index
      %parallel_loop3A_510 = arith.index_cast %parallel_loop3A_507 : i32 to index
      %parallel_loop3A_511 = tpu.vector_load %arg7[%parallel_loop3A_509, %parallel_loop3A_510] {strides = array<i32>} : memref<64x1024xf32, #tpu.memory_space<vmem>>, vector<16xf32>,
      tpu.vector_store %arg7[%parallel_loop3A_509, %parallel_loop3A_510], %parallel_loop3A_505 {strides = array<i32>} : memref<64x1024xf32, #tpu.memory_space<vmem>>, vector<16xf32>,
      %parallel_loop3A_512 = arith.constant 56 : i32
      %parallel_loop3A_513 = vector.broadcast %parallel_loop3A_512 : i32 to vector<16xi32>
      %parallel_loop3A_514 = tpu.vector_load_idx %arg5[%parallel_loop3A_7, %parallel_loop3A_513] : memref<256x64xf32, #tpu.memory_space<vmem>>[vector<16xi32>, vector<16xi32>], vector<16xf32>,
      %parallel_loop3A_515 = arith.constant 16 : i32
      %parallel_loop3A_516 = arith.muli %parallel_loop3A_3, %parallel_loop3A_515 : i32
      %parallel_loop3A_517 = arith.constant 56 : i32
      %parallel_loop3A_518 = arith.index_cast %parallel_loop3A_517 : i32 to index
      %parallel_loop3A_519 = arith.index_cast %parallel_loop3A_516 : i32 to index
      %parallel_loop3A_520 = tpu.vector_load %arg7[%parallel_loop3A_518, %parallel_loop3A_519] {strides = array<i32>} : memref<64x1024xf32, #tpu.memory_space<vmem>>, vector<16xf32>,
      tpu.vector_store %arg7[%parallel_loop3A_518, %parallel_loop3A_519], %parallel_loop3A_514 {strides = array<i32>} : memref<64x1024xf32, #tpu.memory_space<vmem>>, vector<16xf32>,
      %parallel_loop3A_521 = arith.constant 57 : i32
      %parallel_loop3A_522 = vector.broadcast %parallel_loop3A_521 : i32 to vector<16xi32>
      %parallel_loop3A_523 = tpu.vector_load_idx %arg5[%parallel_loop3A_7, %parallel_loop3A_522] : memref<256x64xf32, #tpu.memory_space<vmem>>[vector<16xi32>, vector<16xi32>], vector<16xf32>,
      %parallel_loop3A_524 = arith.constant 16 : i32
      %parallel_loop3A_525 = arith.muli %parallel_loop3A_3, %parallel_loop3A_524 : i32
      %parallel_loop3A_526 = arith.constant 57 : i32
      %parallel_loop3A_527 = arith.index_cast %parallel_loop3A_526 : i32 to index
      %parallel_loop3A_528 = arith.index_cast %parallel_loop3A_525 : i32 to index
      %parallel_loop3A_529 = tpu.vector_load %arg7[%parallel_loop3A_527, %parallel_loop3A_528] {strides = array<i32>} : memref<64x1024xf32, #tpu.memory_space<vmem>>, vector<16xf32>,
      tpu.vector_store %arg7[%parallel_loop3A_527, %parallel_loop3A_528], %parallel_loop3A_523 {strides = array<i32>} : memref<64x1024xf32, #tpu.memory_space<vmem>>, vector<16xf32>,
      %parallel_loop3A_530 = arith.constant 58 : i32
      %parallel_loop3A_531 = vector.broadcast %parallel_loop3A_530 : i32 to vector<16xi32>
      %parallel_loop3A_532 = tpu.vector_load_idx %arg5[%parallel_loop3A_7, %parallel_loop3A_531] : memref<256x64xf32, #tpu.memory_space<vmem>>[vector<16xi32>, vector<16xi32>], vector<16xf32>,
      %parallel_loop3A_533 = arith.constant 16 : i32
      %parallel_loop3A_534 = arith.muli %parallel_loop3A_3, %parallel_loop3A_533 : i32
      %parallel_loop3A_535 = arith.constant 58 : i32
      %parallel_loop3A_536 = arith.index_cast %parallel_loop3A_535 : i32 to index
      %parallel_loop3A_537 = arith.index_cast %parallel_loop3A_534 : i32 to index
      %parallel_loop3A_538 = tpu.vector_load %arg7[%parallel_loop3A_536, %parallel_loop3A_537] {strides = array<i32>} : memref<64x1024xf32, #tpu.memory_space<vmem>>, vector<16xf32>,
      tpu.vector_store %arg7[%parallel_loop3A_536, %parallel_loop3A_537], %parallel_loop3A_532 {strides = array<i32>} : memref<64x1024xf32, #tpu.memory_space<vmem>>, vector<16xf32>,
      %parallel_loop3A_539 = arith.constant 59 : i32
      %parallel_loop3A_540 = vector.broadcast %parallel_loop3A_539 : i32 to vector<16xi32>
      %parallel_loop3A_541 = tpu.vector_load_idx %arg5[%parallel_loop3A_7, %parallel_loop3A_540] : memref<256x64xf32, #tpu.memory_space<vmem>>[vector<16xi32>, vector<16xi32>], vector<16xf32>,
      %parallel_loop3A_542 = arith.constant 16 : i32
      %parallel_loop3A_543 = arith.muli %parallel_loop3A_3, %parallel_loop3A_542 : i32
      %parallel_loop3A_544 = arith.constant 59 : i32
      %parallel_loop3A_545 = arith.index_cast %parallel_loop3A_544 : i32 to index
      %parallel_loop3A_546 = arith.index_cast %parallel_loop3A_543 : i32 to index
      %parallel_loop3A_547 = tpu.vector_load %arg7[%parallel_loop3A_545, %parallel_loop3A_546] {strides = array<i32>} : memref<64x1024xf32, #tpu.memory_space<vmem>>, vector<16xf32>,
      tpu.vector_store %arg7[%parallel_loop3A_545, %parallel_loop3A_546], %parallel_loop3A_541 {strides = array<i32>} : memref<64x1024xf32, #tpu.memory_space<vmem>>, vector<16xf32>,
      %parallel_loop3A_548 = arith.constant 60 : i32
      %parallel_loop3A_549 = vector.broadcast %parallel_loop3A_548 : i32 to vector<16xi32>
      %parallel_loop3A_550 = tpu.vector_load_idx %arg5[%parallel_loop3A_7, %parallel_loop3A_549] : memref<256x64xf32, #tpu.memory_space<vmem>>[vector<16xi32>, vector<16xi32>], vector<16xf32>,
      %parallel_loop3A_551 = arith.constant 16 : i32
      %parallel_loop3A_552 = arith.muli %parallel_loop3A_3, %parallel_loop3A_551 : i32
      %parallel_loop3A_553 = arith.constant 60 : i32
      %parallel_loop3A_554 = arith.index_cast %parallel_loop3A_553 : i32 to index
      %parallel_loop3A_555 = arith.index_cast %parallel_loop3A_552 : i32 to index
      %parallel_loop3A_556 = tpu.vector_load %arg7[%parallel_loop3A_554, %parallel_loop3A_555] {strides = array<i32>} : memref<64x1024xf32, #tpu.memory_space<vmem>>, vector<16xf32>,
      tpu.vector_store %arg7[%parallel_loop3A_554, %parallel_loop3A_555], %parallel_loop3A_550 {strides = array<i32>} : memref<64x1024xf32, #tpu.memory_space<vmem>>, vector<16xf32>,
      %parallel_loop3A_557 = arith.constant 61 : i32
      %parallel_loop3A_558 = vector.broadcast %parallel_loop3A_557 : i32 to vector<16xi32>
      %parallel_loop3A_559 = tpu.vector_load_idx %arg5[%parallel_loop3A_7, %parallel_loop3A_558] : memref<256x64xf32, #tpu.memory_space<vmem>>[vector<16xi32>, vector<16xi32>], vector<16xf32>,
      %parallel_loop3A_560 = arith.constant 16 : i32
      %parallel_loop3A_561 = arith.muli %parallel_loop3A_3, %parallel_loop3A_560 : i32
      %parallel_loop3A_562 = arith.constant 61 : i32
      %parallel_loop3A_563 = arith.index_cast %parallel_loop3A_562 : i32 to index
      %parallel_loop3A_564 = arith.index_cast %parallel_loop3A_561 : i32 to index
      %parallel_loop3A_565 = tpu.vector_load %arg7[%parallel_loop3A_563, %parallel_loop3A_564] {strides = array<i32>} : memref<64x1024xf32, #tpu.memory_space<vmem>>, vector<16xf32>,
      tpu.vector_store %arg7[%parallel_loop3A_563, %parallel_loop3A_564], %parallel_loop3A_559 {strides = array<i32>} : memref<64x1024xf32, #tpu.memory_space<vmem>>, vector<16xf32>,
      %parallel_loop3A_566 = arith.constant 62 : i32
      %parallel_loop3A_567 = vector.broadcast %parallel_loop3A_566 : i32 to vector<16xi32>
      %parallel_loop3A_568 = tpu.vector_load_idx %arg5[%parallel_loop3A_7, %parallel_loop3A_567] : memref<256x64xf32, #tpu.memory_space<vmem>>[vector<16xi32>, vector<16xi32>], vector<16xf32>,
      %parallel_loop3A_569 = arith.constant 16 : i32
      %parallel_loop3A_570 = arith.muli %parallel_loop3A_3, %parallel_loop3A_569 : i32
      %parallel_loop3A_571 = arith.constant 62 : i32
      %parallel_loop3A_572 = arith.index_cast %parallel_loop3A_571 : i32 to index
      %parallel_loop3A_573 = arith.index_cast %parallel_loop3A_570 : i32 to index
      %parallel_loop3A_574 = tpu.vector_load %arg7[%parallel_loop3A_572, %parallel_loop3A_573] {strides = array<i32>} : memref<64x1024xf32, #tpu.memory_space<vmem>>, vector<16xf32>,
      tpu.vector_store %arg7[%parallel_loop3A_572, %parallel_loop3A_573], %parallel_loop3A_568 {strides = array<i32>} : memref<64x1024xf32, #tpu.memory_space<vmem>>, vector<16xf32>,
      %parallel_loop3A_575 = arith.constant 63 : i32
      %parallel_loop3A_576 = vector.broadcast %parallel_loop3A_575 : i32 to vector<16xi32>
      %parallel_loop3A_577 = tpu.vector_load_idx %arg5[%parallel_loop3A_7, %parallel_loop3A_576] : memref<256x64xf32, #tpu.memory_space<vmem>>[vector<16xi32>, vector<16xi32>], vector<16xf32>,
      %parallel_loop3A_578 = arith.constant 16 : i32
      %parallel_loop3A_579 = arith.muli %parallel_loop3A_3, %parallel_loop3A_578 : i32
      %parallel_loop3A_580 = arith.constant 63 : i32
      %parallel_loop3A_581 = arith.index_cast %parallel_loop3A_580 : i32 to index
      %parallel_loop3A_582 = arith.index_cast %parallel_loop3A_579 : i32 to index
      %parallel_loop3A_583 = tpu.vector_load %arg7[%parallel_loop3A_581, %parallel_loop3A_582] {strides = array<i32>} : memref<64x1024xf32, #tpu.memory_space<vmem>>, vector<16xf32>,
      tpu.vector_store %arg7[%parallel_loop3A_581, %parallel_loop3A_582], %parallel_loop3A_577 {strides = array<i32>} : memref<64x1024xf32, #tpu.memory_space<vmem>>, vector<16xf32>,
    } {sc.loop_unroll_factor = 4 : i64, sc.parallel_access}
    "tpu.region"() ({
      %run_scoped3A = tpu.sem_alloc : memref<!tpu.dma_semaphore, #tpu.memory_space<semaphore_mem>>
      %dma_start3A = arith.constant 0 : i32
      %dma_start3A_3 = arith.constant 0 : i32
      %dma_start3A_4 = tpu.memref_slice %arg4[%add3A, %dma_start3A, %dma_start3A_3] : memref<32x64x1024xf32, #tpu.memory_space<hbm>> -> memref<1x64x1024xf32, #tpu.memory_space<hbm>>
      %dma_start3A_5 = tpu.memref_squeeze %dma_start3A_4 : memref<1x64x1024xf32, #tpu.memory_space<hbm>> -> memref<64x1024xf32, #tpu.memory_space<hbm>>
      %dma_start3A_6 = arith.constant 0 : i32
      %dma_start3A_7 = arith.constant 0 : i32
      %dma_start3A_8 = tpu.memref_slice %arg4[%add3A, %dma_start3A_6, %dma_start3A_7] : memref<32x64x1024xf32, #tpu.memory_space<hbm>> -> memref<1x64x1024xf32, #tpu.memory_space<hbm>>
      %dma_start3A_9 = tpu.memref_squeeze %dma_start3A_8 : memref<1x64x1024xf32, #tpu.memory_space<hbm>> -> memref<64x1024xf32, #tpu.memory_space<hbm>>
      tpu.enqueue_dma source(%arg7 : memref<64x1024xf32, #tpu.memory_space<vmem>>) target(%dma_start3A_9 : memref<64x1024xf32, #tpu.memory_space<hbm>>) target_semaphore(%run_scoped3A : memref<!tpu.dma_semaphore, #tpu.memory_space<semaphore_mem>>)
      %dma_wait3A = arith.constant 0 : i32
      %dma_wait3A_10 = arith.constant 0 : i32
      %dma_wait3A_11 = tpu.memref_slice %arg4[%add3A, %dma_wait3A, %dma_wait3A_10] : memref<32x64x1024xf32, #tpu.memory_space<hbm>> -> memref<1x64x1024xf32, #tpu.memory_space<hbm>>
      %dma_wait3A_12 = tpu.memref_squeeze %dma_wait3A_11 : memref<1x64x1024xf32, #tpu.memory_space<hbm>> -> memref<64x1024xf32, #tpu.memory_space<hbm>>
      %dma_wait3A_13 = arith.constant 0 : i32
      %dma_wait3A_14 = arith.constant 0 : i32
      %dma_wait3A_15 = tpu.memref_slice %arg4[%add3A, %dma_wait3A_13, %dma_wait3A_14] : memref<32x64x1024xf32, #tpu.memory_space<hbm>> -> memref<1x64x1024xf32, #tpu.memory_space<hbm>>
      %dma_wait3A_16 = tpu.memref_squeeze %dma_wait3A_15 : memref<1x64x1024xf32, #tpu.memory_space<hbm>> -> memref<64x1024xf32, #tpu.memory_space<hbm>>
      tpu.wait_dma2 semaphore(%run_scoped3A : memref<!tpu.dma_semaphore, #tpu.memory_space<semaphore_mem>>) src(%arg7 : memref<64x1024xf32, #tpu.memory_space<vmem>>) dst(%dma_wait3A_16 : memref<64x1024xf32, #tpu.memory_space<hbm>>)
      tpu.yield
    }) : () -> ()
    return
  }
}

module attributes {stable_mosaic.version = 14 : i64} {
  func.func @_onehot_body(%arg0: i32, %arg1: memref<8x1024xi32, #tpu.memory_space<vmem>>, %arg2: memref<8192x256xf32, #tpu.memory_space<vmem>>) attributes {dimension_semantics = [#tpu.dimension_semantics<arbitrary>], iteration_bounds = array<i64: 4>, scalar_prefetch = 0 : i64, scratch_operands = 0 : i64, tpu.core_type = #tpu.core_type<tc>, window_params = [{transform_indices = @transform_0, window_bounds = array<i64: 8, 1024>}, {transform_indices = @transform_1, window_bounds = array<i64: 8192, 256>}]} {
    %iota3A = tpu.iota {dimensions = array<i32: 1>} : vector<1024x256xi32>
    %get3A = arith.constant 0 : index
    %get3A_0 = arith.constant 0 : index
    %get3A_1 = vector.load %arg1[%get3A, %get3A_0] : memref<8x1024xi32, #tpu.memory_space<vmem>>, vector<1x1024xi32>
    %get3A_2 = vector.shape_cast %get3A_1 : vector<1x1024xi32> to vector<1024xi32>
    %reshape3A = vector.shape_cast %get3A_2 : vector<1024xi32> to vector<1x1024xi32>
    %transpose3A = tpu.transpose %reshape3A, [1, 0] : vector<1x1024xi32> -> vector<1024x1xi32>
    %eq3A = vector.broadcast %transpose3A : vector<1024x1xi32> to vector<1024x256xi32>
    %eq3A_3 = arith.cmpi eq, %iota3A, %eq3A : vector<1024x256xi32>
    %convert_element_type3A = arith.extui %eq3A_3 : vector<1024x256xi1> to vector<1024x256xi32>
    %convert_element_type3A_4 = arith.sitofp %convert_element_type3A : vector<1024x256xi32> to vector<1024x256xf32>
    %swap3A = arith.constant 0 : index
    %swap3A_5 = arith.constant 0 : index
    %swap3A_6 = vector.load %arg2[%swap3A, %swap3A_5] : memref<8192x256xf32, #tpu.memory_space<vmem>>, vector<1024x256xf32>
    tpu.vector_store %arg2[%swap3A, %swap3A_5], %convert_element_type3A_4 {strides = array<i32>} : memref<8192x256xf32, #tpu.memory_space<vmem>>, vector<1024x256xf32>,
    %get3A_7 = arith.constant 1 : index
    %get3A_8 = arith.constant 0 : index
    %get3A_9 = vector.load %arg1[%get3A_7, %get3A_8] : memref<8x1024xi32, #tpu.memory_space<vmem>>, vector<1x1024xi32>
    %get3A_10 = vector.shape_cast %get3A_9 : vector<1x1024xi32> to vector<1024xi32>
    %reshape3A_11 = vector.shape_cast %get3A_10 : vector<1024xi32> to vector<1x1024xi32>
    %transpose3A_12 = tpu.transpose %reshape3A_11, [1, 0] : vector<1x1024xi32> -> vector<1024x1xi32>
    %eq3A_13 = vector.broadcast %transpose3A_12 : vector<1024x1xi32> to vector<1024x256xi32>
    %eq3A_14 = arith.cmpi eq, %iota3A, %eq3A_13 : vector<1024x256xi32>
    %convert_element_type3A_15 = arith.extui %eq3A_14 : vector<1024x256xi1> to vector<1024x256xi32>
    %convert_element_type3A_16 = arith.sitofp %convert_element_type3A_15 : vector<1024x256xi32> to vector<1024x256xf32>
    %swap3A_17 = arith.constant 1024 : index
    %swap3A_18 = arith.constant 0 : index
    %swap3A_19 = vector.load %arg2[%swap3A_17, %swap3A_18] : memref<8192x256xf32, #tpu.memory_space<vmem>>, vector<1024x256xf32>
    tpu.vector_store %arg2[%swap3A_17, %swap3A_18], %convert_element_type3A_16 {strides = array<i32>} : memref<8192x256xf32, #tpu.memory_space<vmem>>, vector<1024x256xf32>,
    %get3A_20 = arith.constant 2 : index
    %get3A_21 = arith.constant 0 : index
    %get3A_22 = vector.load %arg1[%get3A_20, %get3A_21] : memref<8x1024xi32, #tpu.memory_space<vmem>>, vector<1x1024xi32>
    %get3A_23 = vector.shape_cast %get3A_22 : vector<1x1024xi32> to vector<1024xi32>
    %reshape3A_24 = vector.shape_cast %get3A_23 : vector<1024xi32> to vector<1x1024xi32>
    %transpose3A_25 = tpu.transpose %reshape3A_24, [1, 0] : vector<1x1024xi32> -> vector<1024x1xi32>
    %eq3A_26 = vector.broadcast %transpose3A_25 : vector<1024x1xi32> to vector<1024x256xi32>
    %eq3A_27 = arith.cmpi eq, %iota3A, %eq3A_26 : vector<1024x256xi32>
    %convert_element_type3A_28 = arith.extui %eq3A_27 : vector<1024x256xi1> to vector<1024x256xi32>
    %convert_element_type3A_29 = arith.sitofp %convert_element_type3A_28 : vector<1024x256xi32> to vector<1024x256xf32>
    %swap3A_30 = arith.constant 2048 : index
    %swap3A_31 = arith.constant 0 : index
    %swap3A_32 = vector.load %arg2[%swap3A_30, %swap3A_31] : memref<8192x256xf32, #tpu.memory_space<vmem>>, vector<1024x256xf32>
    tpu.vector_store %arg2[%swap3A_30, %swap3A_31], %convert_element_type3A_29 {strides = array<i32>} : memref<8192x256xf32, #tpu.memory_space<vmem>>, vector<1024x256xf32>,
    %get3A_33 = arith.constant 3 : index
    %get3A_34 = arith.constant 0 : index
    %get3A_35 = vector.load %arg1[%get3A_33, %get3A_34] : memref<8x1024xi32, #tpu.memory_space<vmem>>, vector<1x1024xi32>
    %get3A_36 = vector.shape_cast %get3A_35 : vector<1x1024xi32> to vector<1024xi32>
    %reshape3A_37 = vector.shape_cast %get3A_36 : vector<1024xi32> to vector<1x1024xi32>
    %transpose3A_38 = tpu.transpose %reshape3A_37, [1, 0] : vector<1x1024xi32> -> vector<1024x1xi32>
    %eq3A_39 = vector.broadcast %transpose3A_38 : vector<1024x1xi32> to vector<1024x256xi32>
    %eq3A_40 = arith.cmpi eq, %iota3A, %eq3A_39 : vector<1024x256xi32>
    %convert_element_type3A_41 = arith.extui %eq3A_40 : vector<1024x256xi1> to vector<1024x256xi32>
    %convert_element_type3A_42 = arith.sitofp %convert_element_type3A_41 : vector<1024x256xi32> to vector<1024x256xf32>
    %swap3A_43 = arith.constant 3072 : index
    %swap3A_44 = arith.constant 0 : index
    %swap3A_45 = vector.load %arg2[%swap3A_43, %swap3A_44] : memref<8192x256xf32, #tpu.memory_space<vmem>>, vector<1024x256xf32>
    tpu.vector_store %arg2[%swap3A_43, %swap3A_44], %convert_element_type3A_42 {strides = array<i32>} : memref<8192x256xf32, #tpu.memory_space<vmem>>, vector<1024x256xf32>,
    %get3A_46 = arith.constant 4 : index
    %get3A_47 = arith.constant 0 : index
    %get3A_48 = vector.load %arg1[%get3A_46, %get3A_47] : memref<8x1024xi32, #tpu.memory_space<vmem>>, vector<1x1024xi32>
    %get3A_49 = vector.shape_cast %get3A_48 : vector<1x1024xi32> to vector<1024xi32>
    %reshape3A_50 = vector.shape_cast %get3A_49 : vector<1024xi32> to vector<1x1024xi32>
    %transpose3A_51 = tpu.transpose %reshape3A_50, [1, 0] : vector<1x1024xi32> -> vector<1024x1xi32>
    %eq3A_52 = vector.broadcast %transpose3A_51 : vector<1024x1xi32> to vector<1024x256xi32>
    %eq3A_53 = arith.cmpi eq, %iota3A, %eq3A_52 : vector<1024x256xi32>
    %convert_element_type3A_54 = arith.extui %eq3A_53 : vector<1024x256xi1> to vector<1024x256xi32>
    %convert_element_type3A_55 = arith.sitofp %convert_element_type3A_54 : vector<1024x256xi32> to vector<1024x256xf32>
    %swap3A_56 = arith.constant 4096 : index
    %swap3A_57 = arith.constant 0 : index
    %swap3A_58 = vector.load %arg2[%swap3A_56, %swap3A_57] : memref<8192x256xf32, #tpu.memory_space<vmem>>, vector<1024x256xf32>
    tpu.vector_store %arg2[%swap3A_56, %swap3A_57], %convert_element_type3A_55 {strides = array<i32>} : memref<8192x256xf32, #tpu.memory_space<vmem>>, vector<1024x256xf32>,
    %get3A_59 = arith.constant 5 : index
    %get3A_60 = arith.constant 0 : index
    %get3A_61 = vector.load %arg1[%get3A_59, %get3A_60] : memref<8x1024xi32, #tpu.memory_space<vmem>>, vector<1x1024xi32>
    %get3A_62 = vector.shape_cast %get3A_61 : vector<1x1024xi32> to vector<1024xi32>
    %reshape3A_63 = vector.shape_cast %get3A_62 : vector<1024xi32> to vector<1x1024xi32>
    %transpose3A_64 = tpu.transpose %reshape3A_63, [1, 0] : vector<1x1024xi32> -> vector<1024x1xi32>
    %eq3A_65 = vector.broadcast %transpose3A_64 : vector<1024x1xi32> to vector<1024x256xi32>
    %eq3A_66 = arith.cmpi eq, %iota3A, %eq3A_65 : vector<1024x256xi32>
    %convert_element_type3A_67 = arith.extui %eq3A_66 : vector<1024x256xi1> to vector<1024x256xi32>
    %convert_element_type3A_68 = arith.sitofp %convert_element_type3A_67 : vector<1024x256xi32> to vector<1024x256xf32>
    %swap3A_69 = arith.constant 5120 : index
    %swap3A_70 = arith.constant 0 : index
    %swap3A_71 = vector.load %arg2[%swap3A_69, %swap3A_70] : memref<8192x256xf32, #tpu.memory_space<vmem>>, vector<1024x256xf32>
    tpu.vector_store %arg2[%swap3A_69, %swap3A_70], %convert_element_type3A_68 {strides = array<i32>} : memref<8192x256xf32, #tpu.memory_space<vmem>>, vector<1024x256xf32>,
    %get3A_72 = arith.constant 6 : index
    %get3A_73 = arith.constant 0 : index
    %get3A_74 = vector.load %arg1[%get3A_72, %get3A_73] : memref<8x1024xi32, #tpu.memory_space<vmem>>, vector<1x1024xi32>
    %get3A_75 = vector.shape_cast %get3A_74 : vector<1x1024xi32> to vector<1024xi32>
    %reshape3A_76 = vector.shape_cast %get3A_75 : vector<1024xi32> to vector<1x1024xi32>
    %transpose3A_77 = tpu.transpose %reshape3A_76, [1, 0] : vector<1x1024xi32> -> vector<1024x1xi32>
    %eq3A_78 = vector.broadcast %transpose3A_77 : vector<1024x1xi32> to vector<1024x256xi32>
    %eq3A_79 = arith.cmpi eq, %iota3A, %eq3A_78 : vector<1024x256xi32>
    %convert_element_type3A_80 = arith.extui %eq3A_79 : vector<1024x256xi1> to vector<1024x256xi32>
    %convert_element_type3A_81 = arith.sitofp %convert_element_type3A_80 : vector<1024x256xi32> to vector<1024x256xf32>
    %swap3A_82 = arith.constant 6144 : index
    %swap3A_83 = arith.constant 0 : index
    %swap3A_84 = vector.load %arg2[%swap3A_82, %swap3A_83] : memref<8192x256xf32, #tpu.memory_space<vmem>>, vector<1024x256xf32>
    tpu.vector_store %arg2[%swap3A_82, %swap3A_83], %convert_element_type3A_81 {strides = array<i32>} : memref<8192x256xf32, #tpu.memory_space<vmem>>, vector<1024x256xf32>,
    %get3A_85 = arith.constant 7 : index
    %get3A_86 = arith.constant 0 : index
    %get3A_87 = vector.load %arg1[%get3A_85, %get3A_86] : memref<8x1024xi32, #tpu.memory_space<vmem>>, vector<1x1024xi32>
    %get3A_88 = vector.shape_cast %get3A_87 : vector<1x1024xi32> to vector<1024xi32>
    %reshape3A_89 = vector.shape_cast %get3A_88 : vector<1024xi32> to vector<1x1024xi32>
    %transpose3A_90 = tpu.transpose %reshape3A_89, [1, 0] : vector<1x1024xi32> -> vector<1024x1xi32>
    %eq3A_91 = vector.broadcast %transpose3A_90 : vector<1024x1xi32> to vector<1024x256xi32>
    %eq3A_92 = arith.cmpi eq, %iota3A, %eq3A_91 : vector<1024x256xi32>
    %convert_element_type3A_93 = arith.extui %eq3A_92 : vector<1024x256xi1> to vector<1024x256xi32>
    %convert_element_type3A_94 = arith.sitofp %convert_element_type3A_93 : vector<1024x256xi32> to vector<1024x256xf32>
    %swap3A_95 = arith.constant 7168 : index
    %swap3A_96 = arith.constant 0 : index
    %swap3A_97 = vector.load %arg2[%swap3A_95, %swap3A_96] : memref<8192x256xf32, #tpu.memory_space<vmem>>, vector<1024x256xf32>
    tpu.vector_store %arg2[%swap3A_95, %swap3A_96], %convert_element_type3A_94 {strides = array<i32>} : memref<8192x256xf32, #tpu.memory_space<vmem>>, vector<1024x256xf32>,
    return
  }
  func.func @transform_0(%arg0: i32) -> (i32, i32) {
    %c0_i32 = arith.constant 0 : i32
    %c0_i32_0 = arith.constant 0 : i32
    return %arg0, %c0_i32 : i32, i32
  }
  func.func @transform_1(%arg0: i32) -> (i32, i32) {
    %c0_i32 = arith.constant 0 : i32
    %c0_i32_0 = arith.constant 0 : i32
    return %arg0, %c0_i32 : i32, i32
  }
}

module attributes {stable_mosaic.version = 14 : i64} {
  func.func @_dist_body(%arg0: i32, %arg1: memref<8x64x1024xf32, #tpu.memory_space<vmem>>, %arg2: memref<256x64xf32, #tpu.memory_space<vmem>>, %arg3: memref<8x1024xi32, #tpu.memory_space<vmem>>) attributes {dimension_semantics = [#tpu.dimension_semantics<arbitrary>], iteration_bounds = array<i64: 4>, scalar_prefetch = 0 : i64, scratch_operands = 0 : i64, tpu.core_type = #tpu.core_type<tc>, window_params = [{transform_indices = @transform_0, window_bounds = array<i64: 8, 64, 1024>}, {pipeline_mode = #tpu.pipeline_mode<synchronous>, transform_indices = @transform_1, window_bounds = array<i64: 256, 64>}, {transform_indices = @transform_2, window_bounds = array<i64: 8, 1024>}]} {
    %get3A = arith.constant 0 : index
    %get3A_0 = arith.constant 0 : index
    %get3A_1 = vector.load %arg2[%get3A, %get3A_0] : memref<256x64xf32, #tpu.memory_space<vmem>>, vector<256x64xf32>
    %mul3A = arith.mulf %get3A_1, %get3A_1 : vector<256x64xf32>
    %reduce_sum3A = arith.constant dense<0.000000e+00> : vector<256xf32>
    %reduce_sum3A_2 = vector.multi_reduction <add>, %mul3A, %reduce_sum3A [1] : vector<256x64xf32> to vector<256xf32>
    %get3A_3 = arith.constant 0 : index
    %get3A_4 = arith.constant 0 : index
    %get3A_5 = arith.constant 0 : index
    %get3A_6 = vector.load %arg1[%get3A_3, %get3A_4, %get3A_5] : memref<8x64x1024xf32, #tpu.memory_space<vmem>>, vector<1x64x1024xf32>
    %get3A_7 = vector.shape_cast %get3A_6 : vector<1x64x1024xf32> to vector<64x1024xf32>
    %dot_general3A = arith.constant dense<0.000000e+00> : vector<256x1024xf32>
    %dot_general3A_8 = tpu.matmul %get3A_1, %get3A_7, %dot_general3A {dimension_numbers = #tpu.dot_dimension_numbers<[1], [0], [0], [1], [0, 0, 1, 1], [], []>, transpose_lhs_hint = false} : vector<256x64xf32>, vector<64x1024xf32>, vector<256x1024xf32> -> vector<256x1024xf32>
    %mul3A_9 = arith.mulf %get3A_7, %get3A_7 : vector<64x1024xf32>
    %reduce_sum3A_10 = arith.constant dense<0.000000e+00> : vector<1024xf32>
    %reduce_sum3A_11 = vector.multi_reduction <add>, %mul3A_9, %reduce_sum3A_10 [0] : vector<64x1024xf32> to vector<1024xf32>
    %broadcast_in_dim3A = vector.shape_cast %reduce_sum3A_11 : vector<1024xf32> to vector<1x1024xf32>
    %broadcast_in_dim3A_12 = vector.shape_cast %reduce_sum3A_2 : vector<256xf32> to vector<256x1xf32>
    %add3A = vector.broadcast %broadcast_in_dim3A : vector<1x1024xf32> to vector<256x1024xf32>
    %add3A_13 = vector.broadcast %broadcast_in_dim3A_12 : vector<256x1xf32> to vector<256x1024xf32>
    %add3A_14 = arith.addf %add3A, %add3A_13 : vector<256x1024xf32>
    %mul3A_15 = arith.constant 2.000000e+00 : f32
    %mul3A_16 = vector.broadcast %mul3A_15 : f32 to vector<256x1024xf32>
    %mul3A_17 = arith.mulf %mul3A_16, %dot_general3A_8 : vector<256x1024xf32>
    %sub3A = arith.subf %add3A_14, %mul3A_17 : vector<256x1024xf32>
    %reduce_min3A = arith.constant dense<0x7F800000> : vector<1024xf32>
    %reduce_min3A_18 = vector.multi_reduction <minimumf>, %sub3A, %reduce_min3A [0] : vector<256x1024xf32> to vector<1024xf32>
    %iota3A = tpu.iota {dimensions = array<i32: 0>} : vector<256x1024xi32>
    %broadcast_in_dim3A_19 = vector.shape_cast %reduce_min3A_18 : vector<1024xf32> to vector<1x1024xf32>
    %eq3A = vector.broadcast %broadcast_in_dim3A_19 : vector<1x1024xf32> to vector<256x1024xf32>
    %eq3A_20 = arith.cmpf oeq, %sub3A, %eq3A : vector<256x1024xf32>
    %jit3A = arith.constant 256 : i32
    %broadcast_in_dim3A_21 = vector.broadcast %jit3A : i32 to vector<256x1024xi32>
    %select_n3A = arith.select %eq3A_20, %iota3A, %broadcast_in_dim3A_21 : vector<256x1024xi1>, vector<256x1024xi32>
    %reduce_min3A_22 = arith.constant dense<2147483647> : vector<1024xi32>
    %reduce_min3A_23 = vector.multi_reduction <minsi>, %select_n3A, %reduce_min3A_22 [0] : vector<256x1024xi32> to vector<1024xi32>
    %swap3A = arith.constant 0 : index
    %swap3A_24 = arith.constant 0 : index
    %swap3A_25 = vector.load %arg3[%swap3A, %swap3A_24] : memref<8x1024xi32, #tpu.memory_space<vmem>>, vector<1x1024xi32>
    %swap3A_26 = vector.shape_cast %swap3A_25 : vector<1x1024xi32> to vector<1024xi32>
    %swap3A_27 = vector.shape_cast %reduce_min3A_23 : vector<1024xi32> to vector<1x1024xi32>
    tpu.vector_store %arg3[%swap3A, %swap3A_24], %swap3A_27 {strides = array<i32>} : memref<8x1024xi32, #tpu.memory_space<vmem>>, vector<1x1024xi32>,
    %get3A_28 = arith.constant 1 : index
    %get3A_29 = arith.constant 0 : index
    %get3A_30 = arith.constant 0 : index
    %get3A_31 = vector.load %arg1[%get3A_28, %get3A_29, %get3A_30] : memref<8x64x1024xf32, #tpu.memory_space<vmem>>, vector<1x64x1024xf32>
    %get3A_32 = vector.shape_cast %get3A_31 : vector<1x64x1024xf32> to vector<64x1024xf32>
    %dot_general3A_33 = arith.constant dense<0.000000e+00> : vector<256x1024xf32>
    %dot_general3A_34 = tpu.matmul %get3A_1, %get3A_32, %dot_general3A_33 {dimension_numbers = #tpu.dot_dimension_numbers<[1], [0], [0], [1], [0, 0, 1, 1], [], []>, transpose_lhs_hint = false} : vector<256x64xf32>, vector<64x1024xf32>, vector<256x1024xf32> -> vector<256x1024xf32>
    %mul3A_35 = arith.mulf %get3A_32, %get3A_32 : vector<64x1024xf32>
    %reduce_sum3A_36 = arith.constant dense<0.000000e+00> : vector<1024xf32>
    %reduce_sum3A_37 = vector.multi_reduction <add>, %mul3A_35, %reduce_sum3A_36 [0] : vector<64x1024xf32> to vector<1024xf32>
    %broadcast_in_dim3A_38 = vector.shape_cast %reduce_sum3A_37 : vector<1024xf32> to vector<1x1024xf32>
    %broadcast_in_dim3A_39 = vector.shape_cast %reduce_sum3A_2 : vector<256xf32> to vector<256x1xf32>
    %add3A_40 = vector.broadcast %broadcast_in_dim3A_38 : vector<1x1024xf32> to vector<256x1024xf32>
    %add3A_41 = vector.broadcast %broadcast_in_dim3A_39 : vector<256x1xf32> to vector<256x1024xf32>
    %add3A_42 = arith.addf %add3A_40, %add3A_41 : vector<256x1024xf32>
    %mul3A_43 = arith.constant 2.000000e+00 : f32
    %mul3A_44 = vector.broadcast %mul3A_43 : f32 to vector<256x1024xf32>
    %mul3A_45 = arith.mulf %mul3A_44, %dot_general3A_34 : vector<256x1024xf32>
    %sub3A_46 = arith.subf %add3A_42, %mul3A_45 : vector<256x1024xf32>
    %reduce_min3A_47 = arith.constant dense<0x7F800000> : vector<1024xf32>
    %reduce_min3A_48 = vector.multi_reduction <minimumf>, %sub3A_46, %reduce_min3A_47 [0] : vector<256x1024xf32> to vector<1024xf32>
    %iota3A_49 = tpu.iota {dimensions = array<i32: 0>} : vector<256x1024xi32>
    %broadcast_in_dim3A_50 = vector.shape_cast %reduce_min3A_48 : vector<1024xf32> to vector<1x1024xf32>
    %eq3A_51 = vector.broadcast %broadcast_in_dim3A_50 : vector<1x1024xf32> to vector<256x1024xf32>
    %eq3A_52 = arith.cmpf oeq, %sub3A_46, %eq3A_51 : vector<256x1024xf32>
    %jit3A_53 = arith.constant 256 : i32
    %broadcast_in_dim3A_54 = vector.broadcast %jit3A_53 : i32 to vector<256x1024xi32>
    %select_n3A_55 = arith.select %eq3A_52, %iota3A_49, %broadcast_in_dim3A_54 : vector<256x1024xi1>, vector<256x1024xi32>
    %reduce_min3A_56 = arith.constant dense<2147483647> : vector<1024xi32>
    %reduce_min3A_57 = vector.multi_reduction <minsi>, %select_n3A_55, %reduce_min3A_56 [0] : vector<256x1024xi32> to vector<1024xi32>
    %swap3A_58 = arith.constant 1 : index
    %swap3A_59 = arith.constant 0 : index
    %swap3A_60 = vector.load %arg3[%swap3A_58, %swap3A_59] : memref<8x1024xi32, #tpu.memory_space<vmem>>, vector<1x1024xi32>
    %swap3A_61 = vector.shape_cast %swap3A_60 : vector<1x1024xi32> to vector<1024xi32>
    %swap3A_62 = vector.shape_cast %reduce_min3A_57 : vector<1024xi32> to vector<1x1024xi32>
    tpu.vector_store %arg3[%swap3A_58, %swap3A_59], %swap3A_62 {strides = array<i32>} : memref<8x1024xi32, #tpu.memory_space<vmem>>, vector<1x1024xi32>,
    %get3A_63 = arith.constant 2 : index
    %get3A_64 = arith.constant 0 : index
    %get3A_65 = arith.constant 0 : index
    %get3A_66 = vector.load %arg1[%get3A_63, %get3A_64, %get3A_65] : memref<8x64x1024xf32, #tpu.memory_space<vmem>>, vector<1x64x1024xf32>
    %get3A_67 = vector.shape_cast %get3A_66 : vector<1x64x1024xf32> to vector<64x1024xf32>
    %dot_general3A_68 = arith.constant dense<0.000000e+00> : vector<256x1024xf32>
    %dot_general3A_69 = tpu.matmul %get3A_1, %get3A_67, %dot_general3A_68 {dimension_numbers = #tpu.dot_dimension_numbers<[1], [0], [0], [1], [0, 0, 1, 1], [], []>, transpose_lhs_hint = false} : vector<256x64xf32>, vector<64x1024xf32>, vector<256x1024xf32> -> vector<256x1024xf32>
    %mul3A_70 = arith.mulf %get3A_67, %get3A_67 : vector<64x1024xf32>
    %reduce_sum3A_71 = arith.constant dense<0.000000e+00> : vector<1024xf32>
    %reduce_sum3A_72 = vector.multi_reduction <add>, %mul3A_70, %reduce_sum3A_71 [0] : vector<64x1024xf32> to vector<1024xf32>
    %broadcast_in_dim3A_73 = vector.shape_cast %reduce_sum3A_72 : vector<1024xf32> to vector<1x1024xf32>
    %broadcast_in_dim3A_74 = vector.shape_cast %reduce_sum3A_2 : vector<256xf32> to vector<256x1xf32>
    %add3A_75 = vector.broadcast %broadcast_in_dim3A_73 : vector<1x1024xf32> to vector<256x1024xf32>
    %add3A_76 = vector.broadcast %broadcast_in_dim3A_74 : vector<256x1xf32> to vector<256x1024xf32>
    %add3A_77 = arith.addf %add3A_75, %add3A_76 : vector<256x1024xf32>
    %mul3A_78 = arith.constant 2.000000e+00 : f32
    %mul3A_79 = vector.broadcast %mul3A_78 : f32 to vector<256x1024xf32>
    %mul3A_80 = arith.mulf %mul3A_79, %dot_general3A_69 : vector<256x1024xf32>
    %sub3A_81 = arith.subf %add3A_77, %mul3A_80 : vector<256x1024xf32>
    %reduce_min3A_82 = arith.constant dense<0x7F800000> : vector<1024xf32>
    %reduce_min3A_83 = vector.multi_reduction <minimumf>, %sub3A_81, %reduce_min3A_82 [0] : vector<256x1024xf32> to vector<1024xf32>
    %iota3A_84 = tpu.iota {dimensions = array<i32: 0>} : vector<256x1024xi32>
    %broadcast_in_dim3A_85 = vector.shape_cast %reduce_min3A_83 : vector<1024xf32> to vector<1x1024xf32>
    %eq3A_86 = vector.broadcast %broadcast_in_dim3A_85 : vector<1x1024xf32> to vector<256x1024xf32>
    %eq3A_87 = arith.cmpf oeq, %sub3A_81, %eq3A_86 : vector<256x1024xf32>
    %jit3A_88 = arith.constant 256 : i32
    %broadcast_in_dim3A_89 = vector.broadcast %jit3A_88 : i32 to vector<256x1024xi32>
    %select_n3A_90 = arith.select %eq3A_87, %iota3A_84, %broadcast_in_dim3A_89 : vector<256x1024xi1>, vector<256x1024xi32>
    %reduce_min3A_91 = arith.constant dense<2147483647> : vector<1024xi32>
    %reduce_min3A_92 = vector.multi_reduction <minsi>, %select_n3A_90, %reduce_min3A_91 [0] : vector<256x1024xi32> to vector<1024xi32>
    %swap3A_93 = arith.constant 2 : index
    %swap3A_94 = arith.constant 0 : index
    %swap3A_95 = vector.load %arg3[%swap3A_93, %swap3A_94] : memref<8x1024xi32, #tpu.memory_space<vmem>>, vector<1x1024xi32>
    %swap3A_96 = vector.shape_cast %swap3A_95 : vector<1x1024xi32> to vector<1024xi32>
    %swap3A_97 = vector.shape_cast %reduce_min3A_92 : vector<1024xi32> to vector<1x1024xi32>
    tpu.vector_store %arg3[%swap3A_93, %swap3A_94], %swap3A_97 {strides = array<i32>} : memref<8x1024xi32, #tpu.memory_space<vmem>>, vector<1x1024xi32>,
    %get3A_98 = arith.constant 3 : index
    %get3A_99 = arith.constant 0 : index
    %get3A_100 = arith.constant 0 : index
    %get3A_101 = vector.load %arg1[%get3A_98, %get3A_99, %get3A_100] : memref<8x64x1024xf32, #tpu.memory_space<vmem>>, vector<1x64x1024xf32>
    %get3A_102 = vector.shape_cast %get3A_101 : vector<1x64x1024xf32> to vector<64x1024xf32>
    %dot_general3A_103 = arith.constant dense<0.000000e+00> : vector<256x1024xf32>
    %dot_general3A_104 = tpu.matmul %get3A_1, %get3A_102, %dot_general3A_103 {dimension_numbers = #tpu.dot_dimension_numbers<[1], [0], [0], [1], [0, 0, 1, 1], [], []>, transpose_lhs_hint = false} : vector<256x64xf32>, vector<64x1024xf32>, vector<256x1024xf32> -> vector<256x1024xf32>
    %mul3A_105 = arith.mulf %get3A_102, %get3A_102 : vector<64x1024xf32>
    %reduce_sum3A_106 = arith.constant dense<0.000000e+00> : vector<1024xf32>
    %reduce_sum3A_107 = vector.multi_reduction <add>, %mul3A_105, %reduce_sum3A_106 [0] : vector<64x1024xf32> to vector<1024xf32>
    %broadcast_in_dim3A_108 = vector.shape_cast %reduce_sum3A_107 : vector<1024xf32> to vector<1x1024xf32>
    %broadcast_in_dim3A_109 = vector.shape_cast %reduce_sum3A_2 : vector<256xf32> to vector<256x1xf32>
    %add3A_110 = vector.broadcast %broadcast_in_dim3A_108 : vector<1x1024xf32> to vector<256x1024xf32>
    %add3A_111 = vector.broadcast %broadcast_in_dim3A_109 : vector<256x1xf32> to vector<256x1024xf32>
    %add3A_112 = arith.addf %add3A_110, %add3A_111 : vector<256x1024xf32>
    %mul3A_113 = arith.constant 2.000000e+00 : f32
    %mul3A_114 = vector.broadcast %mul3A_113 : f32 to vector<256x1024xf32>
    %mul3A_115 = arith.mulf %mul3A_114, %dot_general3A_104 : vector<256x1024xf32>
    %sub3A_116 = arith.subf %add3A_112, %mul3A_115 : vector<256x1024xf32>
    %reduce_min3A_117 = arith.constant dense<0x7F800000> : vector<1024xf32>
    %reduce_min3A_118 = vector.multi_reduction <minimumf>, %sub3A_116, %reduce_min3A_117 [0] : vector<256x1024xf32> to vector<1024xf32>
    %iota3A_119 = tpu.iota {dimensions = array<i32: 0>} : vector<256x1024xi32>
    %broadcast_in_dim3A_120 = vector.shape_cast %reduce_min3A_118 : vector<1024xf32> to vector<1x1024xf32>
    %eq3A_121 = vector.broadcast %broadcast_in_dim3A_120 : vector<1x1024xf32> to vector<256x1024xf32>
    %eq3A_122 = arith.cmpf oeq, %sub3A_116, %eq3A_121 : vector<256x1024xf32>
    %jit3A_123 = arith.constant 256 : i32
    %broadcast_in_dim3A_124 = vector.broadcast %jit3A_123 : i32 to vector<256x1024xi32>
    %select_n3A_125 = arith.select %eq3A_122, %iota3A_119, %broadcast_in_dim3A_124 : vector<256x1024xi1>, vector<256x1024xi32>
    %reduce_min3A_126 = arith.constant dense<2147483647> : vector<1024xi32>
    %reduce_min3A_127 = vector.multi_reduction <minsi>, %select_n3A_125, %reduce_min3A_126 [0] : vector<256x1024xi32> to vector<1024xi32>
    %swap3A_128 = arith.constant 3 : index
    %swap3A_129 = arith.constant 0 : index
    %swap3A_130 = vector.load %arg3[%swap3A_128, %swap3A_129] : memref<8x1024xi32, #tpu.memory_space<vmem>>, vector<1x1024xi32>
    %swap3A_131 = vector.shape_cast %swap3A_130 : vector<1x1024xi32> to vector<1024xi32>
    %swap3A_132 = vector.shape_cast %reduce_min3A_127 : vector<1024xi32> to vector<1x1024xi32>
    tpu.vector_store %arg3[%swap3A_128, %swap3A_129], %swap3A_132 {strides = array<i32>} : memref<8x1024xi32, #tpu.memory_space<vmem>>, vector<1x1024xi32>,
    %get3A_133 = arith.constant 4 : index
    %get3A_134 = arith.constant 0 : index
    %get3A_135 = arith.constant 0 : index
    %get3A_136 = vector.load %arg1[%get3A_133, %get3A_134, %get3A_135] : memref<8x64x1024xf32, #tpu.memory_space<vmem>>, vector<1x64x1024xf32>
    %get3A_137 = vector.shape_cast %get3A_136 : vector<1x64x1024xf32> to vector<64x1024xf32>
    %dot_general3A_138 = arith.constant dense<0.000000e+00> : vector<256x1024xf32>
    %dot_general3A_139 = tpu.matmul %get3A_1, %get3A_137, %dot_general3A_138 {dimension_numbers = #tpu.dot_dimension_numbers<[1], [0], [0], [1], [0, 0, 1, 1], [], []>, transpose_lhs_hint = false} : vector<256x64xf32>, vector<64x1024xf32>, vector<256x1024xf32> -> vector<256x1024xf32>
    %mul3A_140 = arith.mulf %get3A_137, %get3A_137 : vector<64x1024xf32>
    %reduce_sum3A_141 = arith.constant dense<0.000000e+00> : vector<1024xf32>
    %reduce_sum3A_142 = vector.multi_reduction <add>, %mul3A_140, %reduce_sum3A_141 [0] : vector<64x1024xf32> to vector<1024xf32>
    %broadcast_in_dim3A_143 = vector.shape_cast %reduce_sum3A_142 : vector<1024xf32> to vector<1x1024xf32>
    %broadcast_in_dim3A_144 = vector.shape_cast %reduce_sum3A_2 : vector<256xf32> to vector<256x1xf32>
    %add3A_145 = vector.broadcast %broadcast_in_dim3A_143 : vector<1x1024xf32> to vector<256x1024xf32>
    %add3A_146 = vector.broadcast %broadcast_in_dim3A_144 : vector<256x1xf32> to vector<256x1024xf32>
    %add3A_147 = arith.addf %add3A_145, %add3A_146 : vector<256x1024xf32>
    %mul3A_148 = arith.constant 2.000000e+00 : f32
    %mul3A_149 = vector.broadcast %mul3A_148 : f32 to vector<256x1024xf32>
    %mul3A_150 = arith.mulf %mul3A_149, %dot_general3A_139 : vector<256x1024xf32>
    %sub3A_151 = arith.subf %add3A_147, %mul3A_150 : vector<256x1024xf32>
    %reduce_min3A_152 = arith.constant dense<0x7F800000> : vector<1024xf32>
    %reduce_min3A_153 = vector.multi_reduction <minimumf>, %sub3A_151, %reduce_min3A_152 [0] : vector<256x1024xf32> to vector<1024xf32>
    %iota3A_154 = tpu.iota {dimensions = array<i32: 0>} : vector<256x1024xi32>
    %broadcast_in_dim3A_155 = vector.shape_cast %reduce_min3A_153 : vector<1024xf32> to vector<1x1024xf32>
    %eq3A_156 = vector.broadcast %broadcast_in_dim3A_155 : vector<1x1024xf32> to vector<256x1024xf32>
    %eq3A_157 = arith.cmpf oeq, %sub3A_151, %eq3A_156 : vector<256x1024xf32>
    %jit3A_158 = arith.constant 256 : i32
    %broadcast_in_dim3A_159 = vector.broadcast %jit3A_158 : i32 to vector<256x1024xi32>
    %select_n3A_160 = arith.select %eq3A_157, %iota3A_154, %broadcast_in_dim3A_159 : vector<256x1024xi1>, vector<256x1024xi32>
    %reduce_min3A_161 = arith.constant dense<2147483647> : vector<1024xi32>
    %reduce_min3A_162 = vector.multi_reduction <minsi>, %select_n3A_160, %reduce_min3A_161 [0] : vector<256x1024xi32> to vector<1024xi32>
    %swap3A_163 = arith.constant 4 : index
    %swap3A_164 = arith.constant 0 : index
    %swap3A_165 = vector.load %arg3[%swap3A_163, %swap3A_164] : memref<8x1024xi32, #tpu.memory_space<vmem>>, vector<1x1024xi32>
    %swap3A_166 = vector.shape_cast %swap3A_165 : vector<1x1024xi32> to vector<1024xi32>
    %swap3A_167 = vector.shape_cast %reduce_min3A_162 : vector<1024xi32> to vector<1x1024xi32>
    tpu.vector_store %arg3[%swap3A_163, %swap3A_164], %swap3A_167 {strides = array<i32>} : memref<8x1024xi32, #tpu.memory_space<vmem>>, vector<1x1024xi32>,
    %get3A_168 = arith.constant 5 : index
    %get3A_169 = arith.constant 0 : index
    %get3A_170 = arith.constant 0 : index
    %get3A_171 = vector.load %arg1[%get3A_168, %get3A_169, %get3A_170] : memref<8x64x1024xf32, #tpu.memory_space<vmem>>, vector<1x64x1024xf32>
    %get3A_172 = vector.shape_cast %get3A_171 : vector<1x64x1024xf32> to vector<64x1024xf32>
    %dot_general3A_173 = arith.constant dense<0.000000e+00> : vector<256x1024xf32>
    %dot_general3A_174 = tpu.matmul %get3A_1, %get3A_172, %dot_general3A_173 {dimension_numbers = #tpu.dot_dimension_numbers<[1], [0], [0], [1], [0, 0, 1, 1], [], []>, transpose_lhs_hint = false} : vector<256x64xf32>, vector<64x1024xf32>, vector<256x1024xf32> -> vector<256x1024xf32>
    %mul3A_175 = arith.mulf %get3A_172, %get3A_172 : vector<64x1024xf32>
    %reduce_sum3A_176 = arith.constant dense<0.000000e+00> : vector<1024xf32>
    %reduce_sum3A_177 = vector.multi_reduction <add>, %mul3A_175, %reduce_sum3A_176 [0] : vector<64x1024xf32> to vector<1024xf32>
    %broadcast_in_dim3A_178 = vector.shape_cast %reduce_sum3A_177 : vector<1024xf32> to vector<1x1024xf32>
    %broadcast_in_dim3A_179 = vector.shape_cast %reduce_sum3A_2 : vector<256xf32> to vector<256x1xf32>
    %add3A_180 = vector.broadcast %broadcast_in_dim3A_178 : vector<1x1024xf32> to vector<256x1024xf32>
    %add3A_181 = vector.broadcast %broadcast_in_dim3A_179 : vector<256x1xf32> to vector<256x1024xf32>
    %add3A_182 = arith.addf %add3A_180, %add3A_181 : vector<256x1024xf32>
    %mul3A_183 = arith.constant 2.000000e+00 : f32
    %mul3A_184 = vector.broadcast %mul3A_183 : f32 to vector<256x1024xf32>
    %mul3A_185 = arith.mulf %mul3A_184, %dot_general3A_174 : vector<256x1024xf32>
    %sub3A_186 = arith.subf %add3A_182, %mul3A_185 : vector<256x1024xf32>
    %reduce_min3A_187 = arith.constant dense<0x7F800000> : vector<1024xf32>
    %reduce_min3A_188 = vector.multi_reduction <minimumf>, %sub3A_186, %reduce_min3A_187 [0] : vector<256x1024xf32> to vector<1024xf32>
    %iota3A_189 = tpu.iota {dimensions = array<i32: 0>} : vector<256x1024xi32>
    %broadcast_in_dim3A_190 = vector.shape_cast %reduce_min3A_188 : vector<1024xf32> to vector<1x1024xf32>
    %eq3A_191 = vector.broadcast %broadcast_in_dim3A_190 : vector<1x1024xf32> to vector<256x1024xf32>
    %eq3A_192 = arith.cmpf oeq, %sub3A_186, %eq3A_191 : vector<256x1024xf32>
    %jit3A_193 = arith.constant 256 : i32
    %broadcast_in_dim3A_194 = vector.broadcast %jit3A_193 : i32 to vector<256x1024xi32>
    %select_n3A_195 = arith.select %eq3A_192, %iota3A_189, %broadcast_in_dim3A_194 : vector<256x1024xi1>, vector<256x1024xi32>
    %reduce_min3A_196 = arith.constant dense<2147483647> : vector<1024xi32>
    %reduce_min3A_197 = vector.multi_reduction <minsi>, %select_n3A_195, %reduce_min3A_196 [0] : vector<256x1024xi32> to vector<1024xi32>
    %swap3A_198 = arith.constant 5 : index
    %swap3A_199 = arith.constant 0 : index
    %swap3A_200 = vector.load %arg3[%swap3A_198, %swap3A_199] : memref<8x1024xi32, #tpu.memory_space<vmem>>, vector<1x1024xi32>
    %swap3A_201 = vector.shape_cast %swap3A_200 : vector<1x1024xi32> to vector<1024xi32>
    %swap3A_202 = vector.shape_cast %reduce_min3A_197 : vector<1024xi32> to vector<1x1024xi32>
    tpu.vector_store %arg3[%swap3A_198, %swap3A_199], %swap3A_202 {strides = array<i32>} : memref<8x1024xi32, #tpu.memory_space<vmem>>, vector<1x1024xi32>,
    %get3A_203 = arith.constant 6 : index
    %get3A_204 = arith.constant 0 : index
    %get3A_205 = arith.constant 0 : index
    %get3A_206 = vector.load %arg1[%get3A_203, %get3A_204, %get3A_205] : memref<8x64x1024xf32, #tpu.memory_space<vmem>>, vector<1x64x1024xf32>
    %get3A_207 = vector.shape_cast %get3A_206 : vector<1x64x1024xf32> to vector<64x1024xf32>
    %dot_general3A_208 = arith.constant dense<0.000000e+00> : vector<256x1024xf32>
    %dot_general3A_209 = tpu.matmul %get3A_1, %get3A_207, %dot_general3A_208 {dimension_numbers = #tpu.dot_dimension_numbers<[1], [0], [0], [1], [0, 0, 1, 1], [], []>, transpose_lhs_hint = false} : vector<256x64xf32>, vector<64x1024xf32>, vector<256x1024xf32> -> vector<256x1024xf32>
    %mul3A_210 = arith.mulf %get3A_207, %get3A_207 : vector<64x1024xf32>
    %reduce_sum3A_211 = arith.constant dense<0.000000e+00> : vector<1024xf32>
    %reduce_sum3A_212 = vector.multi_reduction <add>, %mul3A_210, %reduce_sum3A_211 [0] : vector<64x1024xf32> to vector<1024xf32>
    %broadcast_in_dim3A_213 = vector.shape_cast %reduce_sum3A_212 : vector<1024xf32> to vector<1x1024xf32>
    %broadcast_in_dim3A_214 = vector.shape_cast %reduce_sum3A_2 : vector<256xf32> to vector<256x1xf32>
    %add3A_215 = vector.broadcast %broadcast_in_dim3A_213 : vector<1x1024xf32> to vector<256x1024xf32>
    %add3A_216 = vector.broadcast %broadcast_in_dim3A_214 : vector<256x1xf32> to vector<256x1024xf32>
    %add3A_217 = arith.addf %add3A_215, %add3A_216 : vector<256x1024xf32>
    %mul3A_218 = arith.constant 2.000000e+00 : f32
    %mul3A_219 = vector.broadcast %mul3A_218 : f32 to vector<256x1024xf32>
    %mul3A_220 = arith.mulf %mul3A_219, %dot_general3A_209 : vector<256x1024xf32>
    %sub3A_221 = arith.subf %add3A_217, %mul3A_220 : vector<256x1024xf32>
    %reduce_min3A_222 = arith.constant dense<0x7F800000> : vector<1024xf32>
    %reduce_min3A_223 = vector.multi_reduction <minimumf>, %sub3A_221, %reduce_min3A_222 [0] : vector<256x1024xf32> to vector<1024xf32>
    %iota3A_224 = tpu.iota {dimensions = array<i32: 0>} : vector<256x1024xi32>
    %broadcast_in_dim3A_225 = vector.shape_cast %reduce_min3A_223 : vector<1024xf32> to vector<1x1024xf32>
    %eq3A_226 = vector.broadcast %broadcast_in_dim3A_225 : vector<1x1024xf32> to vector<256x1024xf32>
    %eq3A_227 = arith.cmpf oeq, %sub3A_221, %eq3A_226 : vector<256x1024xf32>
    %jit3A_228 = arith.constant 256 : i32
    %broadcast_in_dim3A_229 = vector.broadcast %jit3A_228 : i32 to vector<256x1024xi32>
    %select_n3A_230 = arith.select %eq3A_227, %iota3A_224, %broadcast_in_dim3A_229 : vector<256x1024xi1>, vector<256x1024xi32>
    %reduce_min3A_231 = arith.constant dense<2147483647> : vector<1024xi32>
    %reduce_min3A_232 = vector.multi_reduction <minsi>, %select_n3A_230, %reduce_min3A_231 [0] : vector<256x1024xi32> to vector<1024xi32>
    %swap3A_233 = arith.constant 6 : index
    %swap3A_234 = arith.constant 0 : index
    %swap3A_235 = vector.load %arg3[%swap3A_233, %swap3A_234] : memref<8x1024xi32, #tpu.memory_space<vmem>>, vector<1x1024xi32>
    %swap3A_236 = vector.shape_cast %swap3A_235 : vector<1x1024xi32> to vector<1024xi32>
    %swap3A_237 = vector.shape_cast %reduce_min3A_232 : vector<1024xi32> to vector<1x1024xi32>
    tpu.vector_store %arg3[%swap3A_233, %swap3A_234], %swap3A_237 {strides = array<i32>} : memref<8x1024xi32, #tpu.memory_space<vmem>>, vector<1x1024xi32>,
    %get3A_238 = arith.constant 7 : index
    %get3A_239 = arith.constant 0 : index
    %get3A_240 = arith.constant 0 : index
    %get3A_241 = vector.load %arg1[%get3A_238, %get3A_239, %get3A_240] : memref<8x64x1024xf32, #tpu.memory_space<vmem>>, vector<1x64x1024xf32>
    %get3A_242 = vector.shape_cast %get3A_241 : vector<1x64x1024xf32> to vector<64x1024xf32>
    %dot_general3A_243 = arith.constant dense<0.000000e+00> : vector<256x1024xf32>
    %dot_general3A_244 = tpu.matmul %get3A_1, %get3A_242, %dot_general3A_243 {dimension_numbers = #tpu.dot_dimension_numbers<[1], [0], [0], [1], [0, 0, 1, 1], [], []>, transpose_lhs_hint = false} : vector<256x64xf32>, vector<64x1024xf32>, vector<256x1024xf32> -> vector<256x1024xf32>
    %mul3A_245 = arith.mulf %get3A_242, %get3A_242 : vector<64x1024xf32>
    %reduce_sum3A_246 = arith.constant dense<0.000000e+00> : vector<1024xf32>
    %reduce_sum3A_247 = vector.multi_reduction <add>, %mul3A_245, %reduce_sum3A_246 [0] : vector<64x1024xf32> to vector<1024xf32>
    %broadcast_in_dim3A_248 = vector.shape_cast %reduce_sum3A_247 : vector<1024xf32> to vector<1x1024xf32>
    %broadcast_in_dim3A_249 = vector.shape_cast %reduce_sum3A_2 : vector<256xf32> to vector<256x1xf32>
    %add3A_250 = vector.broadcast %broadcast_in_dim3A_248 : vector<1x1024xf32> to vector<256x1024xf32>
    %add3A_251 = vector.broadcast %broadcast_in_dim3A_249 : vector<256x1xf32> to vector<256x1024xf32>
    %add3A_252 = arith.addf %add3A_250, %add3A_251 : vector<256x1024xf32>
    %mul3A_253 = arith.constant 2.000000e+00 : f32
    %mul3A_254 = vector.broadcast %mul3A_253 : f32 to vector<256x1024xf32>
    %mul3A_255 = arith.mulf %mul3A_254, %dot_general3A_244 : vector<256x1024xf32>
    %sub3A_256 = arith.subf %add3A_252, %mul3A_255 : vector<256x1024xf32>
    %reduce_min3A_257 = arith.constant dense<0x7F800000> : vector<1024xf32>
    %reduce_min3A_258 = vector.multi_reduction <minimumf>, %sub3A_256, %reduce_min3A_257 [0] : vector<256x1024xf32> to vector<1024xf32>
    %iota3A_259 = tpu.iota {dimensions = array<i32: 0>} : vector<256x1024xi32>
    %broadcast_in_dim3A_260 = vector.shape_cast %reduce_min3A_258 : vector<1024xf32> to vector<1x1024xf32>
    %eq3A_261 = vector.broadcast %broadcast_in_dim3A_260 : vector<1x1024xf32> to vector<256x1024xf32>
    %eq3A_262 = arith.cmpf oeq, %sub3A_256, %eq3A_261 : vector<256x1024xf32>
    %jit3A_263 = arith.constant 256 : i32
    %broadcast_in_dim3A_264 = vector.broadcast %jit3A_263 : i32 to vector<256x1024xi32>
    %select_n3A_265 = arith.select %eq3A_262, %iota3A_259, %broadcast_in_dim3A_264 : vector<256x1024xi1>, vector<256x1024xi32>
    %reduce_min3A_266 = arith.constant dense<2147483647> : vector<1024xi32>
    %reduce_min3A_267 = vector.multi_reduction <minsi>, %select_n3A_265, %reduce_min3A_266 [0] : vector<256x1024xi32> to vector<1024xi32>
    %swap3A_268 = arith.constant 7 : index
    %swap3A_269 = arith.constant 0 : index
    %swap3A_270 = vector.load %arg3[%swap3A_268, %swap3A_269] : memref<8x1024xi32, #tpu.memory_space<vmem>>, vector<1x1024xi32>
    %swap3A_271 = vector.shape_cast %swap3A_270 : vector<1x1024xi32> to vector<1024xi32>
    %swap3A_272 = vector.shape_cast %reduce_min3A_267 : vector<1024xi32> to vector<1x1024xi32>
    tpu.vector_store %arg3[%swap3A_268, %swap3A_269], %swap3A_272 {strides = array<i32>} : memref<8x1024xi32, #tpu.memory_space<vmem>>, vector<1x1024xi32>,
    return
  }
  func.func @transform_0(%arg0: i32) -> (i32, i32, i32) {
    %c0_i32 = arith.constant 0 : i32
    %c0_i32_0 = arith.constant 0 : i32
    %c0_i32_1 = arith.constant 0 : i32
    return %arg0, %c0_i32, %c0_i32_0 : i32, i32, i32
  }
  func.func @transform_1(%arg0: i32) -> (i32, i32) {
    %c0_i32 = arith.constant 0 : i32
    %c0_i32_0 = arith.constant 0 : i32
    %c0_i32_1 = arith.constant 0 : i32
    return %c0_i32, %c0_i32_0 : i32, i32
  }
  func.func @transform_2(%arg0: i32) -> (i32, i32) {
    %c0_i32 = arith.constant 0 : i32
    %c0_i32_0 = arith.constant 0 : i32
    return %arg0, %c0_i32 : i32, i32
  }
}

</mosaic_0001>

<sc_bundles>
// kernel: kernel.5.cloned.1.call-start
scs
__scs_entry_jumppad:
0x0: {  	(pc) =	sbr.rel $0x88, $3  }
0x1: {  	(tag) =	ssettag $0x0;
	lr =	simm.s32 $0x1  }
0x2: {  	[smem:$0x3F9F] =	sst lr;
	_ =	strace $0xD0000000  }
0x3: {  	_ = 	snop  }
0x4: {  	_ = 	snop  }
0x5: {  	_ = 	snop  }
0x6: {  	_ = 	snop  }
0x7: {  	_ = 	snop  }
__scs_overlays_trampoline_lowered:
0x8: {  	[smem:$0x3FAE] =	sst s0  }
0x9: {  	[smem:$0x3FAF] =	sst s1  }
0xa: {  	[smem:$0x3FB0] =	sst s2  }
0xb: {  	[smem:$0x3FB1] =	sst s3  }
0xc: {  	[smem:$0x3FB2] =	sst s4  }
0xd: {  	[smem:$0x3FB3] =	sst s5  }
0xe: {  	[smem:$0x3FB4] =	sst s6  }
0xf: {  	[smem:$0x3FB5] =	sst s7  }
0x10: {  	[smem:$0x3FB6] =	sst s8  }
0x11: {  	[smem:$0x3FB7] =	sst s9;
	s0 =	simm.s32 @!p0 $0x0  }
0x12: {  	s1 =	sld [smem:$0x3F9D];
	s0 =	simm.s32 @p0 $0x1  }
0x13: {  	[smem:$0x3FB8] =	sst s0;
	s0 =	simm.s32 @!p1 $0x0  }
0x14: {  	s2 =	sld [smem:$0x3F9C];
	s0 =	simm.s32 @p1 $0x1  }
0x15: {  	[smem:$0x3FB9] =	sst s0;
	s0 =	simm.s32 @!p2 $0x0  }
0x16: {  	s3 =	sld [smem:$0x3FDB];
	s0 =	simm.s32 @p2 $0x1  }
0x17: {  	s4 =	simm.s32 $0x1BF5;
	[smem:$0x3FBB] =	sst s0  }
0x18: {  	s0 =	sld [smem:$0x3F9E];
	_ =	swait.ge [sflag:s4], $0x0  }
0x19: {  	s7 =	sld [smem:$0x3F9F]  }
0x1a: {  	s8 =	sadd.s32 $0xFFFFE003, lr  }
0x1b: {  	s9 =	sadd.s32 $0xFFFFFEF7, lr;
	s5 =	simm.s32 $0xFFFFFFFF;
	p2 =	slt.u32 s8, $0xFFFFF086  }
0x1c: {  	p1 =	slt.u32 s9, $0xF7A;
	s5 =	simm.s32 @!p2 $0x0  }
0x1d: {  	s5 =	simm.s32 @p1 $0x1;
	p0 =	seq.s32 s7, s2  }
0x1e: {  	s7 =	smul.u32 @!p0 $0xF7A, s2;
	p2 =	seq.s32 @!p0 s5, $0x0  }
0x1f: {  	s9 =	smul.u32 $0xF7A, s1;
	s8 =	simm.s32 @!p0 $0x1BF5;
	p2 =	por !p2, p0  }
0x20: {  	[sflag:s8] =	ssyncset.s32 @!p0 $0xFFFFF086;
	s6 =	sadd.s32 @!p0 s3, s7;
	s7 =	simm.s32 @!p0 $0x108  }
0x21: {  	s3 =	sadd.s32 s3, s9;
	s6 =	sadd.s32 @!p0 $0x88, s6;
	s7 =	simm.s32 @p2 $0x1082  }
0x22: {  	[simem:s7], [sflag:s8] =	dma.local @!p0 [hbm:s6], $0xF7A  }
0x23: {  	s9 =	sor.u32 $0xD0000000, s2;
	s6 =	simm.s32 $0x108;
	_ =	swait.ge @!p0 [sflag:s8], $0x0  }
0x24: {  	s3 =	sadd.s32 $0x88, s3;
	s6 =	simm.s32 @!p1 $0x1082;
	[sflag:s4] =	ssyncset.s32 $0xFFFFF086  }
0x25: {  	[simem:s6], [sflag:s4] =	dma.local [hbm:s3], $0xF7A  }
0x26: {  	[smem:$0x3F9F] =	sst s1;
	(tag) =	ssettag s2;
	_ =	strace s9  }
0x27: {  	s1 =	sld [smem:$0x3FAF]  }
0x28: {  	s2 =	sld [smem:$0x3FB0]  }
0x29: {  	s4 =	sld [smem:$0x3FB2]  }
0x2a: {  	p0 =	seq.s32 s5, $0x0;
	s5 =	sld [smem:$0x3FB3]  }
0x2b: {  	s6 =	sld [smem:$0x3FB4]  }
0x2c: {  	s7 =	sld [smem:$0x3FB5]  }
0x2d: {  	s3 =	simm.s32 $0x108;
	s8 =	sld [smem:$0x3FB6]  }
0x2e: {  	s3 =	simm.s32 @!p0 $0x1082;
	s9 =	sld [smem:$0x3FB7]  }
0x2f: {  	lr =	sadd.s32 s0, s3;
	s0 =	sld [smem:$0x3FAE]  }
0x30: {  	s3 =	sld [smem:$0x3FB1]  }
0x31: {  	[smem:$0x3FBA] =	sst s10  }
0x32: {  	s10 =	sld [smem:$0x3FB8];
	_ =	sdelay $0x3  }
0x33: {  	p0 =	seq.s32 s10, $0x1;
	s10 =	sld [smem:$0x3FBA];
	_ =	sdelay $0x3  }
0x34: {  	[smem:$0x3FBA] =	sst s10  }
0x35: {  	s10 =	sld [smem:$0x3FB9];
	_ =	sdelay $0x3  }
0x36: {  	p1 =	seq.s32 s10, $0x1;
	s10 =	sld [smem:$0x3FBA];
	_ =	sdelay $0x3  }
0x37: {  	[smem:$0x3FBA] =	sst s10  }
0x38: {  	s10 =	sld [smem:$0x3FBB]  }
0x39: {  	_ = 	snop;
	(pc) =	sbr.ind lr, $3  }
0x3a: {  	_ = 	snop  }
0x3b: {  	_ = 	snop  }
0x3c: {  	p2 =	seq.s32 s10, $0x1;
	s10 =	sld [smem:$0x3FBA]  }
0x3d: {  	_ =	shalt  }
0x3e: {  	_ =	shalt  }
0x3f: {  	_ =	shalt  }
0x40: {  	_ =	shalt  }
0x41: {  	_ =	shalt  }
0x42: {  	_ =	shalt  }
0x43: {  	_ =	shalt  }
0x44: {  	_ =	shalt  }
0x45: {  	_ =	shalt  }
0x46: {  	_ =	shalt  }
0x47: {  	_ =	shalt  }
0x48: {  	_ =	shalt  }
0x49: {  	_ =	shalt  }
0x4a: {  	_ =	shalt  }
0x4b: {  	_ =	shalt  }
0x4c: {  	_ =	shalt  }
0x4d: {  	_ =	shalt  }
0x4e: {  	_ =	shalt  }
0x4f: {  	_ =	shalt  }
0x50: {  	_ =	shalt  }
0x51: {  	_ =	shalt  }
0x52: {  	_ =	shalt  }
0x53: {  	_ =	shalt  }
0x54: {  	_ =	shalt  }
0x55: {  	_ =	shalt  }
0x56: {  	_ =	shalt  }
0x57: {  	_ =	shalt  }
0x58: {  	_ =	shalt  }
0x59: {  	_ =	shalt  }
0x5a: {  	_ =	shalt  }
0x5b: {  	_ =	shalt  }
0x5c: {  	_ =	shalt  }
0x5d: {  	_ =	shalt  }
0x5e: {  	_ =	shalt  }
0x5f: {  	_ =	shalt  }
0x60: {  	_ =	shalt  }
0x61: {  	_ =	shalt  }
0x62: {  	_ =	shalt  }
0x63: {  	_ =	shalt  }
0x64: {  	_ =	shalt  }
0x65: {  	_ =	shalt  }
0x66: {  	_ =	shalt  }
0x67: {  	_ =	shalt  }
0x68: {  	_ =	shalt  }
0x69: {  	_ =	shalt  }
0x6a: {  	_ =	shalt  }
0x6b: {  	_ =	shalt  }
0x6c: {  	_ =	shalt  }
0x6d: {  	_ =	shalt  }
0x6e: {  	_ =	shalt  }
0x6f: {  	_ =	shalt  }
0x70: {  	_ =	shalt  }
0x71: {  	_ =	shalt  }
0x72: {  	_ =	shalt  }
0x73: {  	_ =	shalt  }
0x74: {  	_ =	shalt  }
0x75: {  	_ =	shalt  }
0x76: {  	_ =	shalt  }
0x77: {  	_ =	shalt  }
0x78: {  	_ =	shalt  }
0x79: {  	_ =	shalt  }
0x7a: {  	_ =	shalt  }
0x7b: {  	_ =	shalt  }
0x7c: {  	_ =	shalt  }
0x7d: {  	_ =	shalt  }
0x7e: {  	_ =	shalt  }
0x7f: {  	_ =	shalt  }
0x80: {  	_ =	shalt  }
0x81: {  	_ =	shalt  }
0x82: {  	_ =	shalt  }
0x83: {  	_ =	shalt  }
0x84: {  	_ =	shalt  }
0x85: {  	_ =	shalt  }
0x86: {  	_ =	shalt  }
0x87: {  	_ =	shalt  }
.Lfunc_end0:
.L_simem_size_0:
called_computation_lowered:
.L_overlay_start_0:
0x88: {  	s2 =	sld [smem:$0x3FD9]  }
0x89: {  	s3 =	sld [smem:$0x3FFE];
	_ =	sdelay $0x1  }
0x8a: {  	s1 =	srdreg.scid  }
0x8b: {  	s0 =	sand.u32 $0x1, s1  }
0x8c: {  	s14 =	sshll.u32 s0, $0xA;
	s2 =	sadd.s32 s3, s2  }
0x8d: {  	s2 =	sadd.s32 s2, s14  }
0x8e: {  	[smem:$0x3FC6] =	sst s2  }
0x8f: {  	_ = 	snop  }
0x90: {  	s2 =	sld [smem:$0x3FD0];
	_ =	sdelay $0x2  }
0x91: {  	s15 =	simm.s32 $0xA;
	s4 =	simm.s32 $0x10  }
0x92: {  	[smem:s4], [sflag:s15] =	dma.local [hbm:s2], $0x1  }
0x93: {  	_ =	swait.eq [sflag:s15], $0x1  }
0x94: {  	[sflag:s15] =	ssyncset.done $0x0  }
0x95: {  	[sflag:s15] =	ssyncadd.s32 $0xFFFFFFFF  }
0x96: {  	s16 =	sld [smem:$0x10];
	(tm) =	ssettm $0x1  }
0x97: {  	s17 =	sld [smem:$0x3FFB];
	_ =	sdelay $0x3  }
0x98: {  	_ =	strace s17  }
0x99: {  	s3 =	sld [smem:$0x3FFC];
	_ =	sdelay $0x3  }
0x9a: {  	_ =	strace s3  }
0x9b: {  	s3 =	sld [smem:$0x3FFD];
	_ =	sdelay $0x3  }
0x9c: {  	_ =	strace s3  }
0x9d: {  	_ =	strace $0x8FFFFFFF  }
0x9e: {  	s18 =	sld [smem:$0x3FDB];
	_ =	sdelay $0x1  }
0x9f: {  	s19 =	simm.s32 $_scs_section_size  }
0xa0: {  	s5 =	simm.s32 $_size__tile_overlayer_lowered;
	s6 =	simm.s32 $_tile_overlayer_lowered  }
0xa1: {  	s22 =	simm.s32 $0x1BFF;
	s21 =	sshll.u32 s6, $0x1;
	s3 =	sadd.s32 s19, s18  }
0xa2: {  	s7 =	simm.s32 $0x0;
	s20 =	sshll.u32 s5, $0x1;
	s5 =	sadd.s32 s21, s3  }
0xa3: {  	[timem:s7], [sflag:s22] =	dma.local [hbm:s5], s20  }
0xa4: {  	_ =	swait.ge [sflag:s22], s20  }
0xa5: {  	s4 =	ssub.s32 $0x0, s20;
	[sflag:s22] =	ssyncset.done $0x0  }
0xa6: {  	[sflag:s22] =	ssyncadd.s32 s4;
	_ =	sdelay $0x1  }
0xa7: {  	s23 =	simm.s32 $0x1B8B  }
0xa8: {  	_ =	swait.ge [sflag:s23], $0x1  }
0xa9: {  	[sflag:s23] =	ssyncset.done $0x0  }
0xaa: {  	s25 =	simm.s32 $0x1B8E;
	s24 =	sld [smem:$0x3FFE];
	[sflag:s23] =	ssyncadd.s32 $0xFFFFFFFF  }
0xab: {  	s26 =	simm.s32 $execute0_lowered;
	[smem:$0x3FD2] =	sst s25  }
0xac: {  	s5 =	sshll.u32 s26, $0x1;
	_ =	strace $0x80000046;
	[dreg:$0x1] =	wrdreg $0xFFFFFFFF  }
0xad: {  	s28 =	simm.s32 $_size_execute0_lowered;
	s3 =	sadd.s32 s3, s5;
	[dreg:$0x0] =	wrdreg $0x0  }
0xae: {  	s5 =	sshll.u32 s28, $0x1;
	[dreg:$0x2] =	wrdreg s3  }
0xaf: {  	[dreg:$0x3] =	wrdreg s5  }
0xb0: {  	[dreg:$0x4] =	wrdreg $0xC0  }
0xb1: {  	_ =	task [dreg:s7], $0x5FFFF  }
0xb2: {  	[dreg:$0x1] =	wrdreg $0xFFFFFFFF  }
0xb3: {  	[dreg:$0x0] =	wrdreg $0x60  }
0xb4: {  	[dreg:$0x2] =	wrdreg s16  }
0xb5: {  	[dreg:$0x3] =	wrdreg s24  }
0xb6: {  	[dreg:$0x4] =	wrdreg $0x9  }
0xb7: {  	_ =	task.clear_ibuf [dreg:s7], $0x5FFFF;
	_ =	strace $0x90000046  }
0xb8: {  	s29 =	simm.s32 $0x9;
	_ =	strace $0x80000048  }
0xb9: {  	_ =	swait.ge [sflag:s29], $0x1  }
0xba: {  	[sflag:s29] =	ssyncadd.s32 $0xFFFFFFFF  }
0xbb: {  	_ =	strace $0x90000048  }
0xbc: {  	_ =	sfence  }
0xbd: {  	s30 =	sld [smem:$0x0];
	_ =	sdelay $0x2  }
0xbe: {  	s31 =	sshll.u32 s1, $0xD;
	s1 =	sshrl.u32 s1, $0x2  }
0xbf: {  	s3 =	sand.u32 $0x4000, s31;
	s1 =	sadd.s32 s1, s30  }
0xc0: {  	s0 =	sor.u32 s3, s0;
	s1 =	sshll.u32 s1, $0x11  }
0xc1: {  	s0 =	sor.u32 s1, s0  }
0xc2: {  	s0 =	sadd.s32 $0x8F2B, s0  }
0xc3: {  	[sflag:s0] =	ssyncadd.remote.s32 $0x1  }
0xc4: {  	_ =	sfence.sel $0xFFFF  }
0xc5: {  	[dreg:$0x0] =	wrdreg $0xFFFFFFFF;
	(pc) =	sbr.abs _section_cstart, $3  }
0xc6: {  	[dreg:$0x1] =	wrdreg $0xFFFFFFFF  }
0xc7: {  	_ =	task.clear_ibuf [dreg:s7], $0x2FFFF;
	_ =	strace $0x9FFFFFFF  }
0xc8: {  	(tm) =	ssettm $0x7FFFFFFF  }
0xc9: {  	_ =	shalt  }
tec
execute0_lowered:
.L_overlay_start_1:
0x0: {  	(tag) =	ssettag $0x1  }
0x1: {  	s2 =	rddreg [dreg:$0x0]  }
0x2: {  	s4 =	rddreg [dreg:$0x1]  }
0x3: {  	s0 =	rddreg [dreg:$0x2]  }
0x4: {  	s3 =	simm.s32 $0x0;
	s1 =	stileid.u32;
	s5 =	srdreg.scid  }
0x5: {  	s9 =	simm.s32 $0x400;
	s10 =	simm.s32 $0x8400;
	s11 =	simm.s32 $0x0  }
0x6: {  	s6 =	sshll.u32 s1, $0x8;
	s5 =	sand.u32 $0x1, s5;
	s7 =	sshll.u32 s1, $0x1  }
0x7: {  	[smem:$0x7FF] =	sst s3;
	s6 =	sand.u32 $0xC00, s6;
	s7 =	sor.u32 s5, s7  }
0x8: {  	_ =	strace $0x80000047;
	s5 =	ssub.s32 $0x2, s5;
	s6 =	sadd.s32 s6, s4  }
0x9: {  	s8 =	sshll.u32 s7, $0x4;
	s7 =	sshll.u32 s7, $0xD;
	s30 =	sshrl.u32 s5, $0x1  }
0xa: {  	s8 =	sand.u32 $0x70, s8;
	s7 =	sadd.s32 s7, s4;
	s31 =	ssub.s32 s5, s30  }
0xb: {  	s6 =	sadd.s32 s8, s6;
	s5 =	sadd.s32 $0x1A00, s7;
	s7 =	simm.s32 $0x1  }
0xc: {  	s8 =	simm.s32 $0x80;
	s4 =	sadd.s32 $0xA00, s6;
	s6 =	smax.u32 s31, $0x1  }
.LBB2_1:
0xd: {  	[tilespmem:s3], [sflag:$0x1] =	stream.linear.gather [hbm4b:s2+s3], $0x8000, $0x38;
	[tilespmem:$0x18400] =	vst v63  }
0xe: {  	_ =	swait.ge [sflag:s7], $0x8000  }
0xf: {  	[sflag:s7] =	ssyncset.done $0x0  }
0x10: {  	s12 =	simm.s32 $0x8000;
	[sflag:s7] =	ssyncadd.s32 $0xFFFF8000  }
0x11: {  	[tilespmem:s12], [sflag:$0x1] =	stream.strided.gather [hbm4b:s4+s8], $0x400, s9, s8, $0x38;
	[tilespmem:$0x18400] =	vst v63  }
0x12: {  	_ =	swait.ge [sflag:s7], $0x400  }
0x13: {  	s13 =	simm.s32 $0xFFFFFFFC;
	p0 =	por $0x0, $0x0;
	[sflag:s7] =	ssyncset.done $0x0  }
0x14: {  	s14 =	simm.s32 $0x0;
	s15 =	simm.s32 $0x0;
	[sflag:s7] =	ssyncadd.s32 $0xFFFFFC00  }
.LBB2_2:
0x15: {  	v0 =	vld [tilespmem:s12+$0x0];
	_ =	sdelay $0x4  }
0x16: {  	v0 =	vshll.u32 v0, $0x7;
	_ =	sdelay $0x4  }
0x17: {  	v1 =	vld.idx.msk [tilespmem:v0+s3+$0x0], $0xffff  }
0x18: {  	v2 =	vor.u32 $0x1, v0  }
0x19: {  	s17 =	sand.u32 $0x1C00, s15  }
0x1a: {  	s16 =	sand.u32 $0x40, s14;
	s22 =	sadd.s32 $0x8400, s17  }
0x1b: {  	s18 =	sor.u32 s16, s22  }
0x1c: {  	[tilespmem:s18+$0x0] =	vst v1  }
0x1d: {  	v1 =	vld.idx.msk [tilespmem:v2+s3+$0x0], $0xffff  }
0x1e: {  	v25 =	vor.u32 $0x2, v0;
	_ =	sdelay $0x3  }
0x1f: {  	[tilespmem:s18+$0x80] =	vst v1  }
0x20: {  	v1 =	vld.idx.msk [tilespmem:v25+s3+$0x0], $0xffff  }
0x21: {  	v26 =	vor.u32 $0x3, v0;
	_ =	sdelay $0x3  }
0x22: {  	[tilespmem:s18+$0x100] =	vst v1  }
0x23: {  	v1 =	vld.idx.msk [tilespmem:v26+s3+$0x0], $0xffff  }
0x24: {  	v27 =	vor.u32 $0x4, v0;
	_ =	sdelay $0x3  }
0x25: {  	[tilespmem:s18+$0x180] =	vst v1  }
0x26: {  	s18 =	simm.s32 $0x1;
	v1 =	vld.idx.msk [tilespmem:v27+s3+$0x0], $0xffff  }
0x27: {  	v28 =	vor.u32 $0x5, v0;
	s18 =	simm.s32 @!p0 $0x0  }
0x28: {  	s18 =	sshll.u32 s18, $0x6  }
0x29: {  	s21 =	sadd.s32 s18, s15  }
0x2a: {  	s18 =	sor.u32 $0x200, s21  }
0x2b: {  	[tilespmem:s18+$0x8400] =	vst v1  }
0x2c: {  	v1 =	vld.idx.msk [tilespmem:v28+s3+$0x0], $0xffff  }
0x2d: {  	v29 =	vor.u32 $0x6, v0;
	_ =	sdelay $0x2  }
0x2e: {  	s20 =	sor.u32 $0x280, s21  }
0x2f: {  	[tilespmem:s20+$0x8400] =	vst v1  }
0x30: {  	v1 =	vld.idx.msk [tilespmem:v29+s3+$0x0], $0xffff  }
0x31: {  	v30 =	vor.u32 $0x7, v0;
	_ =	sdelay $0x2  }
0x32: {  	s23 =	sor.u32 $0x300, s21  }
0x33: {  	[tilespmem:s23+$0x8400] =	vst v1  }
0x34: {  	v1 =	vld.idx.msk [tilespmem:v30+s3+$0x0], $0xffff;
	_ =	sdelay $0x2  }
0x35: {  	s24 =	sor.u32 s15, s14;
	s19 =	sand.u32 $0x380, s14  }
0x36: {  	s18 =	sor.u32 $0x10, s16;
	s20 =	sor.u32 $0x380, s24;
	s23 =	sor.u32 $0x8000, s19  }
0x37: {  	s19 =	sor.u32 $0x20, s16;
	s25 =	sor.u32 s18, s23;
	[tilespmem:s20+$0x8400] =	vst v1  }
0x38: {  	s24 =	sor.u32 s19, s23;
	s20 =	sor.u32 $0x30, s16;
	v1 =	vld [tilespmem:s25+$0x0]  }
0x39: {  	v31 =	vld [tilespmem:s24+$0x0];
	s23 =	sor.u32 s20, s23  }
0x3a: {  	v4 =	vld [tilespmem:s23+$0x0];
	_ =	sdelay $0x2  }
0x3b: {  	v3 =	vshll.u32 v1, $0x7  }
0x3c: {  	v2 =	vshll.u32 v31, $0x7  }
0x3d: {  	v1 =	vshll.u32 v4, $0x7;
	_ =	sdelay $0x2  }
0x3e: {  	v32 =	vld.idx.msk [tilespmem:v3+s3+$0x0], $0xffff  }
0x3f: {  	v5 =	vor.u32 $0x1, v3;
	v6 =	vld.idx.msk [tilespmem:v2+s3+$0x0], $0xffff  }
0x40: {  	v7 =	vor.u32 $0x1, v2;
	v8 =	vld.idx.msk [tilespmem:v1+s3+$0x0], $0xffff  }
0x41: {  	v9 =	vor.u32 $0x1, v1  }
0x42: {  	s26 =	sor.u32 s18, s22  }
0x43: {  	s28 =	sor.u32 s19, s22;
	[tilespmem:s26+$0x0] =	vst v32  }
0x44: {  	s22 =	sor.u32 s20, s22;
	[tilespmem:s28+$0x0] =	vst v6;
	v4 =	vld.idx.msk [tilespmem:v5+s3+$0x0], $0xffff  }
0x45: {  	v33 =	vor.u32 $0x2, v3;
	v6 =	vld.idx.msk [tilespmem:v7+s3+$0x0], $0xffff;
	[tilespmem:s22+$0x0] =	vst v8  }
0x46: {  	v34 =	vor.u32 $0x2, v2;
	v8 =	vld.idx.msk [tilespmem:v9+s3+$0x0], $0xffff  }
0x47: {  	v35 =	vor.u32 $0x2, v1;
	_ =	sdelay $0x1  }
0x48: {  	[tilespmem:s26+$0x80] =	vst v4  }
0x49: {  	[tilespmem:s28+$0x80] =	vst v6;
	v4 =	vld.idx.msk [tilespmem:v33+s3+$0x0], $0xffff  }
0x4a: {  	v36 =	vor.u32 $0x3, v3;
	v6 =	vld.idx.msk [tilespmem:v34+s3+$0x0], $0xffff;
	[tilespmem:s22+$0x80] =	vst v8  }
0x4b: {  	v37 =	vor.u32 $0x3, v2;
	v8 =	vld.idx.msk [tilespmem:v35+s3+$0x0], $0xffff  }
0x4c: {  	v38 =	vor.u32 $0x3, v1;
	_ =	sdelay $0x1  }
0x4d: {  	[tilespmem:s26+$0x100] =	vst v4  }
0x4e: {  	[tilespmem:s28+$0x100] =	vst v6;
	v4 =	vld.idx.msk [tilespmem:v36+s3+$0x0], $0xffff  }
0x4f: {  	v39 =	vor.u32 $0x4, v3;
	v6 =	vld.idx.msk [tilespmem:v37+s3+$0x0], $0xffff;
	[tilespmem:s22+$0x100] =	vst v8  }
0x50: {  	v40 =	vor.u32 $0x4, v2;
	v8 =	vld.idx.msk [tilespmem:v38+s3+$0x0], $0xffff  }
0x51: {  	v41 =	vor.u32 $0x4, v1;
	_ =	sdelay $0x1  }
0x52: {  	[tilespmem:s26+$0x180] =	vst v4  }
0x53: {  	[tilespmem:s28+$0x180] =	vst v6;
	v4 =	vld.idx.msk [tilespmem:v39+s3+$0x0], $0xffff  }
0x54: {  	v42 =	vor.u32 $0x5, v3;
	v6 =	vld.idx.msk [tilespmem:v40+s3+$0x0], $0xffff;
	[tilespmem:s22+$0x180] =	vst v8  }
0x55: {  	v43 =	vor.u32 $0x5, v2;
	v8 =	vld.idx.msk [tilespmem:v41+s3+$0x0], $0xffff  }
0x56: {  	v44 =	vor.u32 $0x5, v1;
	s22 =	sadd.s32 $0x10, s21  }
0x57: {  	s24 =	sadd.s32 $0x20, s21;
	s29 =	sor.u32 $0x200, s22  }
0x58: {  	s30 =	sor.u32 $0x200, s24;
	s21 =	sadd.s32 $0x30, s21;
	[tilespmem:s29+$0x8400] =	vst v4  }
0x59: {  	s31 =	sor.u32 $0x200, s21;
	[tilespmem:s30+$0x8400] =	vst v6;
	v4 =	vld.idx.msk [tilespmem:v42+s3+$0x0], $0xffff  }
0x5a: {  	v45 =	vor.u32 $0x6, v3;
	v6 =	vld.idx.msk [tilespmem:v43+s3+$0x0], $0xffff;
	[tilespmem:s31+$0x8400] =	vst v8  }
0x5b: {  	v46 =	vor.u32 $0x6, v2;
	v8 =	vld.idx.msk [tilespmem:v44+s3+$0x0], $0xffff  }
0x5c: {  	v47 =	vor.u32 $0x6, v1  }
0x5d: {  	s25 =	sor.u32 $0x280, s22  }
0x5e: {  	s26 =	sor.u32 $0x280, s24;
	[tilespmem:s25+$0x8400] =	vst v4  }
0x5f: {  	s28 =	sor.u32 $0x280, s21;
	[tilespmem:s26+$0x8400] =	vst v6;
	v4 =	vld.idx.msk [tilespmem:v45+s3+$0x0], $0xffff  }
0x60: {  	v48 =	vor.u32 $0x7, v3;
	v6 =	vld.idx.msk [tilespmem:v46+s3+$0x0], $0xffff;
	[tilespmem:s28+$0x8400] =	vst v8  }
0x61: {  	v49 =	vor.u32 $0x7, v2;
	v8 =	vld.idx.msk [tilespmem:v47+s3+$0x0], $0xffff  }
0x62: {  	v50 =	vor.u32 $0x7, v1  }
0x63: {  	s29 =	sor.u32 $0x300, s22  }
0x64: {  	s30 =	sor.u32 $0x300, s24;
	[tilespmem:s29+$0x8400] =	vst v4  }
0x65: {  	v51 =	vor.u32 $0x8, v0;
	s31 =	sor.u32 $0x300, s21;
	[tilespmem:s30+$0x8400] =	vst v6;
	v5 =	vld.idx.msk [tilespmem:v48+s3+$0x0], $0xffff  }
0x66: {  	v52 =	vor.u32 $0x8, v3;
	[tilespmem:s31+$0x8400] =	vst v8;
	v7 =	vld.idx.msk [tilespmem:v49+s3+$0x0], $0xffff  }
0x67: {  	v53 =	vor.u32 $0x8, v2;
	v9 =	vld.idx.msk [tilespmem:v50+s3+$0x0], $0xffff  }
0x68: {  	v10 =	vor.u32 $0x8, v1  }
0x69: {  	s22 =	sor.u32 $0x380, s22  }
0x6a: {  	s23 =	sor.u32 $0x380, s24;
	v4 =	vld.idx.msk [tilespmem:v51+s3+$0x0], $0xffff;
	[tilespmem:s22+$0x8400] =	vst v5  }
0x6b: {  	v54 =	vor.u32 $0x9, v0;
	s21 =	sor.u32 $0x380, s21;
	[tilespmem:s23+$0x8400] =	vst v7;
	v6 =	vld.idx.msk [tilespmem:v52+s3+$0x0], $0xffff  }
0x6c: {  	v55 =	vor.u32 $0x9, v3;
	v8 =	vld.idx.msk [tilespmem:v53+s3+$0x0], $0xffff;
	[tilespmem:s21+$0x8400] =	vst v9  }
0x6d: {  	v56 =	vor.u32 $0x9, v2;
	s24 =	sadd.s32 $0xA400, s17;
	v10 =	vld.idx.msk [tilespmem:v10+s3+$0x0], $0xffff  }
0x6e: {  	v11 =	vor.u32 $0x9, v1;
	s25 =	sor.u32 s16, s24  }
0x6f: {  	s26 =	sor.u32 s18, s24;
	[tilespmem:s25+$0x0] =	vst v4  }
0x70: {  	s28 =	sor.u32 s19, s24;
	v4 =	vld.idx.msk [tilespmem:v54+s3+$0x0], $0xffff;
	[tilespmem:s26+$0x0] =	vst v6  }
0x71: {  	v57 =	vor.u32 $0xA, v0;
	s21 =	sor.u32 s20, s24;
	[tilespmem:s28+$0x0] =	vst v8;
	v6 =	vld.idx.msk [tilespmem:v55+s3+$0x0], $0xffff  }
0x72: {  	v58 =	vor.u32 $0xA, v3;
	v8 =	vld.idx.msk [tilespmem:v56+s3+$0x0], $0xffff;
	[tilespmem:s21+$0x0] =	vst v10  }
0x73: {  	v59 =	vor.u32 $0xA, v2;
	s29 =	sadd.s32 $0xA480, s17;
	v10 =	vld.idx.msk [tilespmem:v11+s3+$0x0], $0xffff  }
0x74: {  	v60 =	vor.u32 $0xA, v1;
	s30 =	sor.u32 s16, s29  }
0x75: {  	s31 =	sor.u32 s18, s29;
	[tilespmem:s30+$0x0] =	vst v4  }
0x76: {  	s23 =	sor.u32 s19, s29;
	v4 =	vld.idx.msk [tilespmem:v57+s3+$0x0], $0xffff;
	[tilespmem:s31+$0x0] =	vst v6  }
0x77: {  	v61 =	vor.u32 $0xB, v0;
	s21 =	sor.u32 s20, s29;
	[tilespmem:s23+$0x0] =	vst v8;
	v6 =	vld.idx.msk [tilespmem:v58+s3+$0x0], $0xffff  }
0x78: {  	v62 =	vor.u32 $0xB, v3;
	v8 =	vld.idx.msk [tilespmem:v59+s3+$0x0], $0xffff;
	[tilespmem:s21+$0x0] =	vst v10  }
0x79: {  	v63 =	vor.u32 $0xB, v2;
	s24 =	sadd.s32 $0xA500, s17;
	v10 =	vld.idx.msk [tilespmem:v60+s3+$0x0], $0xffff  }
0x7a: {  	v12 =	vor.u32 $0xB, v1;
	s25 =	sor.u32 s16, s24  }
0x7b: {  	s26 =	sor.u32 s18, s24;
	[tilespmem:s25+$0x0] =	vst v4  }
0x7c: {  	s28 =	sor.u32 s19, s24;
	v4 =	vld.idx.msk [tilespmem:v61+s3+$0x0], $0xffff;
	[tilespmem:s26+$0x0] =	vst v6  }
0x7d: {  	v13 =	vor.u32 $0xC, v0;
	s21 =	sor.u32 s20, s24;
	[tilespmem:s28+$0x0] =	vst v8;
	v6 =	vld.idx.msk [tilespmem:v62+s3+$0x0], $0xffff  }
0x7e: {  	v14 =	vor.u32 $0xC, v3;
	v8 =	vld.idx.msk [tilespmem:v63+s3+$0x0], $0xffff;
	[tilespmem:s21+$0x0] =	vst v10  }
0x7f: {  	v15 =	vor.u32 $0xC, v2;
	s29 =	sadd.s32 $0xA580, s17;
	v10 =	vld.idx.msk [tilespmem:v12+s3+$0x0], $0xffff  }
0x80: {  	v16 =	vor.u32 $0xC, v1;
	s30 =	sor.u32 s16, s29  }
0x81: {  	s31 =	sor.u32 s18, s29;
	[tilespmem:s30+$0x0] =	vst v4  }
0x82: {  	s23 =	sor.u32 s19, s29;
	v4 =	vld.idx.msk [tilespmem:v13+s3+$0x0], $0xffff;
	[tilespmem:s31+$0x0] =	vst v6  }
0x83: {  	v17 =	vor.u32 $0xD, v0;
	s21 =	sor.u32 s20, s29;
	[tilespmem:s23+$0x0] =	vst v8;
	v6 =	vld.idx.msk [tilespmem:v14+s3+$0x0], $0xffff  }
0x84: {  	v18 =	vor.u32 $0xD, v3;
	v8 =	vld.idx.msk [tilespmem:v15+s3+$0x0], $0xffff;
	[tilespmem:s21+$0x0] =	vst v10  }
0x85: {  	v19 =	vor.u32 $0xD, v2;
	s24 =	sadd.s32 $0xA600, s17;
	v10 =	vld.idx.msk [tilespmem:v16+s3+$0x0], $0xffff  }
0x86: {  	v20 =	vor.u32 $0xD, v1;
	s25 =	sor.u32 s16, s24  }
0x87: {  	s26 =	sor.u32 s18, s24;
	[tilespmem:s25+$0x0] =	vst v4  }
0x88: {  	s28 =	sor.u32 s19, s24;
	v4 =	vld.idx.msk [tilespmem:v17+s3+$0x0], $0xffff;
	[tilespmem:s26+$0x0] =	vst v6  }
0x89: {  	v21 =	vor.u32 $0xE, v0;
	s21 =	sor.u32 s20, s24;
	[tilespmem:s28+$0x0] =	vst v8;
	v6 =	vld.idx.msk [tilespmem:v18+s3+$0x0], $0xffff  }
0x8a: {  	v22 =	vor.u32 $0xE, v3;
	v8 =	vld.idx.msk [tilespmem:v19+s3+$0x0], $0xffff;
	[tilespmem:s21+$0x0] =	vst v10  }
0x8b: {  	v23 =	vor.u32 $0xE, v2;
	s29 =	sadd.s32 $0xA680, s17;
	v10 =	vld.idx.msk [tilespmem:v20+s3+$0x0], $0xffff  }
0x8c: {  	v24 =	vor.u32 $0xE, v1;
	s30 =	sor.u32 s16, s29  }
0x8d: {  	s31 =	sor.u32 s18, s29;
	[tilespmem:s30+$0x0] =	vst v4  }
0x8e: {  	s23 =	sor.u32 s19, s29;
	v4 =	vld.idx.msk [tilespmem:v21+s3+$0x0], $0xffff;
	[tilespmem:s31+$0x0] =	vst v6  }
0x8f: {  	v25 =	vor.u32 $0xF, v0;
	s21 =	sor.u32 s20, s29;
	[tilespmem:s23+$0x0] =	vst v8;
	v6 =	vld.idx.msk [tilespmem:v22+s3+$0x0], $0xffff  }
0x90: {  	v26 =	vor.u32 $0xF, v3;
	v8 =	vld.idx.msk [tilespmem:v23+s3+$0x0], $0xffff;
	[tilespmem:s21+$0x0] =	vst v10  }
0x91: {  	v27 =	vor.u32 $0xF, v2;
	s24 =	sadd.s32 $0xA700, s17;
	v10 =	vld.idx.msk [tilespmem:v24+s3+$0x0], $0xffff  }
0x92: {  	v28 =	vor.u32 $0xF, v1;
	s25 =	sor.u32 s16, s24  }
0x93: {  	s26 =	sor.u32 s18, s24;
	[tilespmem:s25+$0x0] =	vst v4  }
0x94: {  	s28 =	sor.u32 s19, s24;
	v4 =	vld.idx.msk [tilespmem:v25+s3+$0x0], $0xffff;
	[tilespmem:s26+$0x0] =	vst v6  }
0x95: {  	v29 =	vor.u32 $0x10, v0;
	s21 =	sor.u32 s20, s24;
	[tilespmem:s28+$0x0] =	vst v8;
	v6 =	vld.idx.msk [tilespmem:v26+s3+$0x0], $0xffff  }
0x96: {  	v30 =	vor.u32 $0x10, v3;
	v8 =	vld.idx.msk [tilespmem:v27+s3+$0x0], $0xffff;
	[tilespmem:s21+$0x0] =	vst v10  }
0x97: {  	v31 =	vor.u32 $0x10, v2;
	s29 =	sadd.s32 $0xA780, s17;
	v10 =	vld.idx.msk [tilespmem:v28+s3+$0x0], $0xffff  }
0x98: {  	v32 =	vor.u32 $0x10, v1;
	s30 =	sor.u32 s16, s29  }
0x99: {  	s31 =	sor.u32 s18, s29;
	[tilespmem:s30+$0x0] =	vst v4  }
0x9a: {  	s23 =	sor.u32 s19, s29;
	v4 =	vld.idx.msk [tilespmem:v29+s3+$0x0], $0xffff;
	[tilespmem:s31+$0x0] =	vst v6  }
0x9b: {  	v33 =	vor.u32 $0x11, v0;
	s21 =	sor.u32 s20, s29;
	[tilespmem:s23+$0x0] =	vst v8;
	v6 =	vld.idx.msk [tilespmem:v30+s3+$0x0], $0xffff  }
0x9c: {  	v34 =	vor.u32 $0x11, v3;
	v8 =	vld.idx.msk [tilespmem:v31+s3+$0x0], $0xffff;
	[tilespmem:s21+$0x0] =	vst v10  }
0x9d: {  	v35 =	vor.u32 $0x11, v2;
	s24 =	sadd.s32 $0xC400, s17;
	v10 =	vld.idx.msk [tilespmem:v32+s3+$0x0], $0xffff  }
0x9e: {  	v36 =	vor.u32 $0x11, v1;
	s25 =	sor.u32 s16, s24  }
0x9f: {  	s26 =	sor.u32 s18, s24;
	[tilespmem:s25+$0x0] =	vst v4  }
0xa0: {  	s28 =	sor.u32 s19, s24;
	v4 =	vld.idx.msk [tilespmem:v33+s3+$0x0], $0xffff;
	[tilespmem:s26+$0x0] =	vst v6  }
0xa1: {  	v37 =	vor.u32 $0x12, v0;
	s21 =	sor.u32 s20, s24;
	[tilespmem:s28+$0x0] =	vst v8;
	v6 =	vld.idx.msk [tilespmem:v34+s3+$0x0], $0xffff  }
0xa2: {  	v38 =	vor.u32 $0x12, v3;
	v8 =	vld.idx.msk [tilespmem:v35+s3+$0x0], $0xffff;
	[tilespmem:s21+$0x0] =	vst v10  }
0xa3: {  	v39 =	vor.u32 $0x12, v2;
	s29 =	sadd.s32 $0xC480, s17;
	v10 =	vld.idx.msk [tilespmem:v36+s3+$0x0], $0xffff  }
0xa4: {  	v40 =	vor.u32 $0x12, v1;
	s30 =	sor.u32 s16, s29  }
0xa5: {  	s31 =	sor.u32 s18, s29;
	[tilespmem:s30+$0x0] =	vst v4  }
0xa6: {  	s23 =	sor.u32 s19, s29;
	v4 =	vld.idx.msk [tilespmem:v37+s3+$0x0], $0xffff;
	[tilespmem:s31+$0x0] =	vst v6  }
0xa7: {  	v41 =	vor.u32 $0x13, v0;
	s21 =	sor.u32 s20, s29;
	[tilespmem:s23+$0x0] =	vst v8;
	v6 =	vld.idx.msk [tilespmem:v38+s3+$0x0], $0xffff  }
0xa8: {  	v42 =	vor.u32 $0x13, v3;
	v8 =	vld.idx.msk [tilespmem:v39+s3+$0x0], $0xffff;
	[tilespmem:s21+$0x0] =	vst v10  }
0xa9: {  	v43 =	vor.u32 $0x13, v2;
	s24 =	sadd.s32 $0xC500, s17;
	v10 =	vld.idx.msk [tilespmem:v40+s3+$0x0], $0xffff  }
0xaa: {  	v44 =	vor.u32 $0x13, v1;
	s25 =	sor.u32 s16, s24  }
0xab: {  	s26 =	sor.u32 s18, s24;
	[tilespmem:s25+$0x0] =	vst v4  }
0xac: {  	s28 =	sor.u32 s19, s24;
	v4 =	vld.idx.msk [tilespmem:v41+s3+$0x0], $0xffff;
	[tilespmem:s26+$0x0] =	vst v6  }
0xad: {  	v45 =	vor.u32 $0x14, v0;
	s21 =	sor.u32 s20, s24;
	[tilespmem:s28+$0x0] =	vst v8;
	v6 =	vld.idx.msk [tilespmem:v42+s3+$0x0], $0xffff  }
0xae: {  	v46 =	vor.u32 $0x14, v3;
	v8 =	vld.idx.msk [tilespmem:v43+s3+$0x0], $0xffff;
	[tilespmem:s21+$0x0] =	vst v10  }
0xaf: {  	v47 =	vor.u32 $0x14, v2;
	s29 =	sadd.s32 $0xC580, s17;
	v10 =	vld.idx.msk [tilespmem:v44+s3+$0x0], $0xffff  }
0xb0: {  	v48 =	vor.u32 $0x14, v1;
	s30 =	sor.u32 s16, s29  }
0xb1: {  	s31 =	sor.u32 s18, s29;
	[tilespmem:s30+$0x0] =	vst v4  }
0xb2: {  	s23 =	sor.u32 s19, s29;
	v4 =	vld.idx.msk [tilespmem:v45+s3+$0x0], $0xffff;
	[tilespmem:s31+$0x0] =	vst v6  }
0xb3: {  	v49 =	vor.u32 $0x15, v0;
	s21 =	sor.u32 s20, s29;
	[tilespmem:s23+$0x0] =	vst v8;
	v6 =	vld.idx.msk [tilespmem:v46+s3+$0x0], $0xffff  }
0xb4: {  	v50 =	vor.u32 $0x15, v3;
	v8 =	vld.idx.msk [tilespmem:v47+s3+$0x0], $0xffff;
	[tilespmem:s21+$0x0] =	vst v10  }
0xb5: {  	v51 =	vor.u32 $0x15, v2;
	s24 =	sadd.s32 $0xC600, s17;
	v10 =	vld.idx.msk [tilespmem:v48+s3+$0x0], $0xffff  }
0xb6: {  	v52 =	vor.u32 $0x15, v1;
	s25 =	sor.u32 s16, s24  }
0xb7: {  	s26 =	sor.u32 s18, s24;
	[tilespmem:s25+$0x0] =	vst v4  }
0xb8: {  	s28 =	sor.u32 s19, s24;
	v4 =	vld.idx.msk [tilespmem:v49+s3+$0x0], $0xffff;
	[tilespmem:s26+$0x0] =	vst v6  }
0xb9: {  	v53 =	vor.u32 $0x16, v0;
	s21 =	sor.u32 s20, s24;
	[tilespmem:s28+$0x0] =	vst v8;
	v6 =	vld.idx.msk [tilespmem:v50+s3+$0x0], $0xffff  }
0xba: {  	v54 =	vor.u32 $0x16, v3;
	v8 =	vld.idx.msk [tilespmem:v51+s3+$0x0], $0xffff;
	[tilespmem:s21+$0x0] =	vst v10  }
0xbb: {  	v55 =	vor.u32 $0x16, v2;
	s29 =	sadd.s32 $0xC680, s17;
	v10 =	vld.idx.msk [tilespmem:v52+s3+$0x0], $0xffff  }
0xbc: {  	v56 =	vor.u32 $0x16, v1;
	s30 =	sor.u32 s16, s29  }
0xbd: {  	s31 =	sor.u32 s18, s29;
	[tilespmem:s30+$0x0] =	vst v4  }
0xbe: {  	s23 =	sor.u32 s19, s29;
	v4 =	vld.idx.msk [tilespmem:v53+s3+$0x0], $0xffff;
	[tilespmem:s31+$0x0] =	vst v6  }
0xbf: {  	v57 =	vor.u32 $0x17, v0;
	s21 =	sor.u32 s20, s29;
	[tilespmem:s23+$0x0] =	vst v8;
	v6 =	vld.idx.msk [tilespmem:v54+s3+$0x0], $0xffff  }
0xc0: {  	v58 =	vor.u32 $0x17, v3;
	v8 =	vld.idx.msk [tilespmem:v55+s3+$0x0], $0xffff;
	[tilespmem:s21+$0x0] =	vst v10  }
0xc1: {  	v59 =	vor.u32 $0x17, v2;
	s24 =	sadd.s32 $0xC700, s17;
	v10 =	vld.idx.msk [tilespmem:v56+s3+$0x0], $0xffff  }
0xc2: {  	v60 =	vor.u32 $0x17, v1;
	s25 =	sor.u32 s16, s24  }
0xc3: {  	s26 =	sor.u32 s18, s24;
	[tilespmem:s25+$0x0] =	vst v4  }
0xc4: {  	s28 =	sor.u32 s19, s24;
	v4 =	vld.idx.msk [tilespmem:v57+s3+$0x0], $0xffff;
	[tilespmem:s26+$0x0] =	vst v6  }
0xc5: {  	v61 =	vor.u32 $0x18, v0;
	s21 =	sor.u32 s20, s24;
	[tilespmem:s28+$0x0] =	vst v8;
	v6 =	vld.idx.msk [tilespmem:v58+s3+$0x0], $0xffff  }
0xc6: {  	v62 =	vor.u32 $0x18, v3;
	v8 =	vld.idx.msk [tilespmem:v59+s3+$0x0], $0xffff;
	[tilespmem:s21+$0x0] =	vst v10  }
0xc7: {  	v63 =	vor.u32 $0x18, v2;
	s29 =	sadd.s32 $0xC780, s17;
	v10 =	vld.idx.msk [tilespmem:v60+s3+$0x0], $0xffff  }
0xc8: {  	v12 =	vor.u32 $0x18, v1;
	s30 =	sor.u32 s16, s29  }
0xc9: {  	s31 =	sor.u32 s18, s29;
	[tilespmem:s30+$0x0] =	vst v4  }
0xca: {  	s23 =	sor.u32 s19, s29;
	v4 =	vld.idx.msk [tilespmem:v61+s3+$0x0], $0xffff;
	[tilespmem:s31+$0x0] =	vst v6  }
0xcb: {  	v13 =	vor.u32 $0x19, v0;
	s21 =	sor.u32 s20, s29;
	[tilespmem:s23+$0x0] =	vst v8;
	v6 =	vld.idx.msk [tilespmem:v62+s3+$0x0], $0xffff  }
0xcc: {  	v14 =	vor.u32 $0x19, v3;
	v8 =	vld.idx.msk [tilespmem:v63+s3+$0x0], $0xffff;
	[tilespmem:s21+$0x0] =	vst v10  }
0xcd: {  	v15 =	vor.u32 $0x19, v2;
	s24 =	sadd.s32 $0xE400, s17;
	v10 =	vld.idx.msk [tilespmem:v12+s3+$0x0], $0xffff  }
0xce: {  	v16 =	vor.u32 $0x19, v1;
	s25 =	sor.u32 s16, s24  }
0xcf: {  	s26 =	sor.u32 s18, s24;
	[tilespmem:s25+$0x0] =	vst v4  }
0xd0: {  	s28 =	sor.u32 s19, s24;
	v4 =	vld.idx.msk [tilespmem:v13+s3+$0x0], $0xffff;
	[tilespmem:s26+$0x0] =	vst v6  }
0xd1: {  	v17 =	vor.u32 $0x1A, v0;
	s21 =	sor.u32 s20, s24;
	[tilespmem:s28+$0x0] =	vst v8;
	v6 =	vld.idx.msk [tilespmem:v14+s3+$0x0], $0xffff  }
0xd2: {  	v18 =	vor.u32 $0x1A, v3;
	v8 =	vld.idx.msk [tilespmem:v15+s3+$0x0], $0xffff;
	[tilespmem:s21+$0x0] =	vst v10  }
0xd3: {  	v19 =	vor.u32 $0x1A, v2;
	s29 =	sadd.s32 $0xE480, s17;
	v10 =	vld.idx.msk [tilespmem:v16+s3+$0x0], $0xffff  }
0xd4: {  	v20 =	vor.u32 $0x1A, v1;
	s30 =	sor.u32 s16, s29  }
0xd5: {  	s31 =	sor.u32 s18, s29;
	[tilespmem:s30+$0x0] =	vst v4  }
0xd6: {  	s23 =	sor.u32 s19, s29;
	v4 =	vld.idx.msk [tilespmem:v17+s3+$0x0], $0xffff;
	[tilespmem:s31+$0x0] =	vst v6  }
0xd7: {  	v21 =	vor.u32 $0x1B, v0;
	s21 =	sor.u32 s20, s29;
	[tilespmem:s23+$0x0] =	vst v8;
	v6 =	vld.idx.msk [tilespmem:v18+s3+$0x0], $0xffff  }
0xd8: {  	v22 =	vor.u32 $0x1B, v3;
	v8 =	vld.idx.msk [tilespmem:v19+s3+$0x0], $0xffff;
	[tilespmem:s21+$0x0] =	vst v10  }
0xd9: {  	v23 =	vor.u32 $0x1B, v2;
	s24 =	sadd.s32 $0xE500, s17;
	v10 =	vld.idx.msk [tilespmem:v20+s3+$0x0], $0xffff  }
0xda: {  	v24 =	vor.u32 $0x1B, v1;
	s25 =	sor.u32 s16, s24  }
0xdb: {  	s26 =	sor.u32 s18, s24;
	[tilespmem:s25+$0x0] =	vst v4  }
0xdc: {  	s28 =	sor.u32 s19, s24;
	v4 =	vld.idx.msk [tilespmem:v21+s3+$0x0], $0xffff;
	[tilespmem:s26+$0x0] =	vst v6  }
0xdd: {  	v25 =	vor.u32 $0x1C, v0;
	s21 =	sor.u32 s20, s24;
	[tilespmem:s28+$0x0] =	vst v8;
	v6 =	vld.idx.msk [tilespmem:v22+s3+$0x0], $0xffff  }
0xde: {  	v26 =	vor.u32 $0x1C, v3;
	v8 =	vld.idx.msk [tilespmem:v23+s3+$0x0], $0xffff;
	[tilespmem:s21+$0x0] =	vst v10  }
0xdf: {  	v27 =	vor.u32 $0x1C, v2;
	s29 =	sadd.s32 $0xE580, s17;
	v10 =	vld.idx.msk [tilespmem:v24+s3+$0x0], $0xffff  }
0xe0: {  	v28 =	vor.u32 $0x1C, v1;
	s30 =	sor.u32 s16, s29  }
0xe1: {  	s31 =	sor.u32 s18, s29;
	[tilespmem:s30+$0x0] =	vst v4  }
0xe2: {  	s23 =	sor.u32 s19, s29;
	v4 =	vld.idx.msk [tilespmem:v25+s3+$0x0], $0xffff;
	[tilespmem:s31+$0x0] =	vst v6  }
0xe3: {  	v29 =	vor.u32 $0x1D, v0;
	s21 =	sor.u32 s20, s29;
	[tilespmem:s23+$0x0] =	vst v8;
	v6 =	vld.idx.msk [tilespmem:v26+s3+$0x0], $0xffff  }
0xe4: {  	v30 =	vor.u32 $0x1D, v3;
	v8 =	vld.idx.msk [tilespmem:v27+s3+$0x0], $0xffff;
	[tilespmem:s21+$0x0] =	vst v10  }
0xe5: {  	v31 =	vor.u32 $0x1D, v2;
	s24 =	sadd.s32 $0xE600, s17;
	v10 =	vld.idx.msk [tilespmem:v28+s3+$0x0], $0xffff  }
0xe6: {  	v32 =	vor.u32 $0x1D, v1;
	s25 =	sor.u32 s16, s24  }
0xe7: {  	s26 =	sor.u32 s18, s24;
	[tilespmem:s25+$0x0] =	vst v4  }
0xe8: {  	s28 =	sor.u32 s19, s24;
	v4 =	vld.idx.msk [tilespmem:v29+s3+$0x0], $0xffff;
	[tilespmem:s26+$0x0] =	vst v6  }
0xe9: {  	v33 =	vor.u32 $0x1E, v0;
	s21 =	sor.u32 s20, s24;
	[tilespmem:s28+$0x0] =	vst v8;
	v6 =	vld.idx.msk [tilespmem:v30+s3+$0x0], $0xffff  }
0xea: {  	v34 =	vor.u32 $0x1E, v3;
	v8 =	vld.idx.msk [tilespmem:v31+s3+$0x0], $0xffff;
	[tilespmem:s21+$0x0] =	vst v10  }
0xeb: {  	v35 =	vor.u32 $0x1E, v2;
	s29 =	sadd.s32 $0xE680, s17;
	v10 =	vld.idx.msk [tilespmem:v32+s3+$0x0], $0xffff  }
0xec: {  	v36 =	vor.u32 $0x1E, v1;
	s30 =	sor.u32 s16, s29  }
0xed: {  	s31 =	sor.u32 s18, s29;
	[tilespmem:s30+$0x0] =	vst v4  }
0xee: {  	s23 =	sor.u32 s19, s29;
	v4 =	vld.idx.msk [tilespmem:v33+s3+$0x0], $0xffff;
	[tilespmem:s31+$0x0] =	vst v6  }
0xef: {  	v37 =	vor.u32 $0x1F, v0;
	s21 =	sor.u32 s20, s29;
	[tilespmem:s23+$0x0] =	vst v8;
	v6 =	vld.idx.msk [tilespmem:v34+s3+$0x0], $0xffff  }
0xf0: {  	v38 =	vor.u32 $0x1F, v3;
	v8 =	vld.idx.msk [tilespmem:v35+s3+$0x0], $0xffff;
	[tilespmem:s21+$0x0] =	vst v10  }
0xf1: {  	v39 =	vor.u32 $0x1F, v2;
	s24 =	sadd.s32 $0xE700, s17;
	v10 =	vld.idx.msk [tilespmem:v36+s3+$0x0], $0xffff  }
0xf2: {  	v40 =	vor.u32 $0x1F, v1;
	s25 =	sor.u32 s16, s24  }
0xf3: {  	s26 =	sor.u32 s18, s24;
	[tilespmem:s25+$0x0] =	vst v4  }
0xf4: {  	s28 =	sor.u32 s19, s24;
	v4 =	vld.idx.msk [tilespmem:v37+s3+$0x0], $0xffff;
	[tilespmem:s26+$0x0] =	vst v6  }
0xf5: {  	v41 =	vor.u32 $0x20, v0;
	s21 =	sor.u32 s20, s24;
	[tilespmem:s28+$0x0] =	vst v8;
	v6 =	vld.idx.msk [tilespmem:v38+s3+$0x0], $0xffff  }
0xf6: {  	v42 =	vor.u32 $0x20, v3;
	v8 =	vld.idx.msk [tilespmem:v39+s3+$0x0], $0xffff;
	[tilespmem:s21+$0x0] =	vst v10  }
0xf7: {  	v43 =	vor.u32 $0x20, v2;
	s29 =	sadd.s32 $0xE780, s17;
	v10 =	vld.idx.msk [tilespmem:v40+s3+$0x0], $0xffff  }
0xf8: {  	v44 =	vor.u32 $0x20, v1;
	s30 =	sor.u32 s16, s29  }
0xf9: {  	s31 =	sor.u32 s18, s29;
	[tilespmem:s30+$0x0] =	vst v4  }
0xfa: {  	s23 =	sor.u32 s19, s29;
	v4 =	vld.idx.msk [tilespmem:v41+s3+$0x0], $0xffff;
	[tilespmem:s31+$0x0] =	vst v6  }
0xfb: {  	v45 =	vor.u32 $0x21, v0;
	s21 =	sor.u32 s20, s29;
	[tilespmem:s23+$0x0] =	vst v8;
	v6 =	vld.idx.msk [tilespmem:v42+s3+$0x0], $0xffff  }
0xfc: {  	v46 =	vor.u32 $0x21, v3;
	v8 =	vld.idx.msk [tilespmem:v43+s3+$0x0], $0xffff;
	[tilespmem:s21+$0x0] =	vst v10  }
0xfd: {  	v47 =	vor.u32 $0x21, v2;
	s24 =	sadd.s32 $0x10400, s17;
	v10 =	vld.idx.msk [tilespmem:v44+s3+$0x0], $0xffff  }
0xfe: {  	v48 =	vor.u32 $0x21, v1;
	s25 =	sor.u32 s16, s24  }
0xff: {  	s26 =	sor.u32 s18, s24;
	[tilespmem:s25+$0x0] =	vst v4  }
0x100: {  	s28 =	sor.u32 s19, s24;
	v4 =	vld.idx.msk [tilespmem:v45+s3+$0x0], $0xffff;
	[tilespmem:s26+$0x0] =	vst v6  }
0x101: {  	v49 =	vor.u32 $0x22, v0;
	s21 =	sor.u32 s20, s24;
	[tilespmem:s28+$0x0] =	vst v8;
	v6 =	vld.idx.msk [tilespmem:v46+s3+$0x0], $0xffff  }
0x102: {  	v50 =	vor.u32 $0x22, v3;
	v8 =	vld.idx.msk [tilespmem:v47+s3+$0x0], $0xffff;
	[tilespmem:s21+$0x0] =	vst v10  }
0x103: {  	v51 =	vor.u32 $0x22, v2;
	s29 =	sadd.s32 $0x10480, s17;
	v10 =	vld.idx.msk [tilespmem:v48+s3+$0x0], $0xffff  }
0x104: {  	v52 =	vor.u32 $0x22, v1;
	s30 =	sor.u32 s16, s29  }
0x105: {  	s31 =	sor.u32 s18, s29;
	[tilespmem:s30+$0x0] =	vst v4  }
0x106: {  	s23 =	sor.u32 s19, s29;
	v4 =	vld.idx.msk [tilespmem:v49+s3+$0x0], $0xffff;
	[tilespmem:s31+$0x0] =	vst v6  }
0x107: {  	v53 =	vor.u32 $0x23, v0;
	s21 =	sor.u32 s20, s29;
	[tilespmem:s23+$0x0] =	vst v8;
	v6 =	vld.idx.msk [tilespmem:v50+s3+$0x0], $0xffff  }
0x108: {  	v54 =	vor.u32 $0x23, v3;
	v8 =	vld.idx.msk [tilespmem:v51+s3+$0x0], $0xffff;
	[tilespmem:s21+$0x0] =	vst v10  }
0x109: {  	v55 =	vor.u32 $0x23, v2;
	s24 =	sadd.s32 $0x10500, s17;
	v10 =	vld.idx.msk [tilespmem:v52+s3+$0x0], $0xffff  }
0x10a: {  	v56 =	vor.u32 $0x23, v1;
	s25 =	sor.u32 s16, s24  }
0x10b: {  	s26 =	sor.u32 s18, s24;
	[tilespmem:s25+$0x0] =	vst v4  }
0x10c: {  	s28 =	sor.u32 s19, s24;
	v4 =	vld.idx.msk [tilespmem:v53+s3+$0x0], $0xffff;
	[tilespmem:s26+$0x0] =	vst v6  }
0x10d: {  	v57 =	vor.u32 $0x24, v0;
	s21 =	sor.u32 s20, s24;
	[tilespmem:s28+$0x0] =	vst v8;
	v6 =	vld.idx.msk [tilespmem:v54+s3+$0x0], $0xffff  }
0x10e: {  	v58 =	vor.u32 $0x24, v3;
	v8 =	vld.idx.msk [tilespmem:v55+s3+$0x0], $0xffff;
	[tilespmem:s21+$0x0] =	vst v10  }
0x10f: {  	v59 =	vor.u32 $0x24, v2;
	s29 =	sadd.s32 $0x10580, s17;
	v10 =	vld.idx.msk [tilespmem:v56+s3+$0x0], $0xffff  }
0x110: {  	v60 =	vor.u32 $0x24, v1;
	s30 =	sor.u32 s16, s29  }
0x111: {  	s31 =	sor.u32 s18, s29;
	[tilespmem:s30+$0x0] =	vst v4  }
0x112: {  	s23 =	sor.u32 s19, s29;
	v4 =	vld.idx.msk [tilespmem:v57+s3+$0x0], $0xffff;
	[tilespmem:s31+$0x0] =	vst v6  }
0x113: {  	v61 =	vor.u32 $0x25, v0;
	s21 =	sor.u32 s20, s29;
	[tilespmem:s23+$0x0] =	vst v8;
	v6 =	vld.idx.msk [tilespmem:v58+s3+$0x0], $0xffff  }
0x114: {  	v62 =	vor.u32 $0x25, v3;
	v8 =	vld.idx.msk [tilespmem:v59+s3+$0x0], $0xffff;
	[tilespmem:s21+$0x0] =	vst v10  }
0x115: {  	v63 =	vor.u32 $0x25, v2;
	s24 =	sadd.s32 $0x10600, s17;
	v10 =	vld.idx.msk [tilespmem:v60+s3+$0x0], $0xffff  }
0x116: {  	v12 =	vor.u32 $0x25, v1;
	s25 =	sor.u32 s16, s24  }
0x117: {  	s26 =	sor.u32 s18, s24;
	[tilespmem:s25+$0x0] =	vst v4  }
0x118: {  	s28 =	sor.u32 s19, s24;
	v4 =	vld.idx.msk [tilespmem:v61+s3+$0x0], $0xffff;
	[tilespmem:s26+$0x0] =	vst v6  }
0x119: {  	v13 =	vor.u32 $0x26, v0;
	s21 =	sor.u32 s20, s24;
	[tilespmem:s28+$0x0] =	vst v8;
	v6 =	vld.idx.msk [tilespmem:v62+s3+$0x0], $0xffff  }
0x11a: {  	v14 =	vor.u32 $0x26, v3;
	v8 =	vld.idx.msk [tilespmem:v63+s3+$0x0], $0xffff;
	[tilespmem:s21+$0x0] =	vst v10  }
0x11b: {  	v15 =	vor.u32 $0x26, v2;
	s29 =	sadd.s32 $0x10680, s17;
	v10 =	vld.idx.msk [tilespmem:v12+s3+$0x0], $0xffff  }
0x11c: {  	v16 =	vor.u32 $0x26, v1;
	s30 =	sor.u32 s16, s29  }
0x11d: {  	s31 =	sor.u32 s18, s29;
	[tilespmem:s30+$0x0] =	vst v4  }
0x11e: {  	s23 =	sor.u32 s19, s29;
	v4 =	vld.idx.msk [tilespmem:v13+s3+$0x0], $0xffff;
	[tilespmem:s31+$0x0] =	vst v6  }
0x11f: {  	v17 =	vor.u32 $0x27, v0;
	s21 =	sor.u32 s20, s29;
	[tilespmem:s23+$0x0] =	vst v8;
	v6 =	vld.idx.msk [tilespmem:v14+s3+$0x0], $0xffff  }
0x120: {  	v18 =	vor.u32 $0x27, v3;
	v8 =	vld.idx.msk [tilespmem:v15+s3+$0x0], $0xffff;
	[tilespmem:s21+$0x0] =	vst v10  }
0x121: {  	v19 =	vor.u32 $0x27, v2;
	s24 =	sadd.s32 $0x10700, s17;
	v10 =	vld.idx.msk [tilespmem:v16+s3+$0x0], $0xffff  }
0x122: {  	v20 =	vor.u32 $0x27, v1;
	s25 =	sor.u32 s16, s24  }
0x123: {  	s26 =	sor.u32 s18, s24;
	[tilespmem:s25+$0x0] =	vst v4  }
0x124: {  	s28 =	sor.u32 s19, s24;
	v4 =	vld.idx.msk [tilespmem:v17+s3+$0x0], $0xffff;
	[tilespmem:s26+$0x0] =	vst v6  }
0x125: {  	v21 =	vor.u32 $0x28, v0;
	s21 =	sor.u32 s20, s24;
	[tilespmem:s28+$0x0] =	vst v8;
	v6 =	vld.idx.msk [tilespmem:v18+s3+$0x0], $0xffff  }
0x126: {  	v22 =	vor.u32 $0x28, v3;
	v8 =	vld.idx.msk [tilespmem:v19+s3+$0x0], $0xffff;
	[tilespmem:s21+$0x0] =	vst v10  }
0x127: {  	v23 =	vor.u32 $0x28, v2;
	s29 =	sadd.s32 $0x10780, s17;
	v10 =	vld.idx.msk [tilespmem:v20+s3+$0x0], $0xffff  }
0x128: {  	v24 =	vor.u32 $0x28, v1;
	s30 =	sor.u32 s16, s29  }
0x129: {  	s31 =	sor.u32 s18, s29;
	[tilespmem:s30+$0x0] =	vst v4  }
0x12a: {  	s23 =	sor.u32 s19, s29;
	v4 =	vld.idx.msk [tilespmem:v21+s3+$0x0], $0xffff;
	[tilespmem:s31+$0x0] =	vst v6  }
0x12b: {  	v25 =	vor.u32 $0x29, v0;
	s21 =	sor.u32 s20, s29;
	[tilespmem:s23+$0x0] =	vst v8;
	v6 =	vld.idx.msk [tilespmem:v22+s3+$0x0], $0xffff  }
0x12c: {  	v26 =	vor.u32 $0x29, v3;
	v8 =	vld.idx.msk [tilespmem:v23+s3+$0x0], $0xffff;
	[tilespmem:s21+$0x0] =	vst v10  }
0x12d: {  	v27 =	vor.u32 $0x29, v2;
	s24 =	sadd.s32 $0x12400, s17;
	v10 =	vld.idx.msk [tilespmem:v24+s3+$0x0], $0xffff  }
0x12e: {  	v28 =	vor.u32 $0x29, v1;
	s25 =	sor.u32 s16, s24  }
0x12f: {  	s26 =	sor.u32 s18, s24;
	[tilespmem:s25+$0x0] =	vst v4  }
0x130: {  	s28 =	sor.u32 s19, s24;
	v4 =	vld.idx.msk [tilespmem:v25+s3+$0x0], $0xffff;
	[tilespmem:s26+$0x0] =	vst v6  }
0x131: {  	v29 =	vor.u32 $0x2A, v0;
	s21 =	sor.u32 s20, s24;
	[tilespmem:s28+$0x0] =	vst v8;
	v6 =	vld.idx.msk [tilespmem:v26+s3+$0x0], $0xffff  }
0x132: {  	v30 =	vor.u32 $0x2A, v3;
	v8 =	vld.idx.msk [tilespmem:v27+s3+$0x0], $0xffff;
	[tilespmem:s21+$0x0] =	vst v10  }
0x133: {  	v31 =	vor.u32 $0x2A, v2;
	s29 =	sadd.s32 $0x12480, s17;
	v10 =	vld.idx.msk [tilespmem:v28+s3+$0x0], $0xffff  }
0x134: {  	v32 =	vor.u32 $0x2A, v1;
	s30 =	sor.u32 s16, s29  }
0x135: {  	s31 =	sor.u32 s18, s29;
	[tilespmem:s30+$0x0] =	vst v4  }
0x136: {  	s23 =	sor.u32 s19, s29;
	v4 =	vld.idx.msk [tilespmem:v29+s3+$0x0], $0xffff;
	[tilespmem:s31+$0x0] =	vst v6  }
0x137: {  	v33 =	vor.u32 $0x2B, v0;
	s21 =	sor.u32 s20, s29;
	[tilespmem:s23+$0x0] =	vst v8;
	v6 =	vld.idx.msk [tilespmem:v30+s3+$0x0], $0xffff  }
0x138: {  	v34 =	vor.u32 $0x2B, v3;
	v8 =	vld.idx.msk [tilespmem:v31+s3+$0x0], $0xffff;
	[tilespmem:s21+$0x0] =	vst v10  }
0x139: {  	v35 =	vor.u32 $0x2B, v2;
	s24 =	sadd.s32 $0x12500, s17;
	v10 =	vld.idx.msk [tilespmem:v32+s3+$0x0], $0xffff  }
0x13a: {  	v36 =	vor.u32 $0x2B, v1;
	s25 =	sor.u32 s16, s24  }
0x13b: {  	s26 =	sor.u32 s18, s24;
	[tilespmem:s25+$0x0] =	vst v4  }
0x13c: {  	s28 =	sor.u32 s19, s24;
	v4 =	vld.idx.msk [tilespmem:v33+s3+$0x0], $0xffff;
	[tilespmem:s26+$0x0] =	vst v6  }
0x13d: {  	v37 =	vor.u32 $0x2C, v0;
	s21 =	sor.u32 s20, s24;
	[tilespmem:s28+$0x0] =	vst v8;
	v6 =	vld.idx.msk [tilespmem:v34+s3+$0x0], $0xffff  }
0x13e: {  	v38 =	vor.u32 $0x2C, v3;
	v8 =	vld.idx.msk [tilespmem:v35+s3+$0x0], $0xffff;
	[tilespmem:s21+$0x0] =	vst v10  }
0x13f: {  	v39 =	vor.u32 $0x2C, v2;
	s29 =	sadd.s32 $0x12580, s17;
	v10 =	vld.idx.msk [tilespmem:v36+s3+$0x0], $0xffff  }
0x140: {  	v40 =	vor.u32 $0x2C, v1;
	s30 =	sor.u32 s16, s29  }
0x141: {  	s31 =	sor.u32 s18, s29;
	[tilespmem:s30+$0x0] =	vst v4  }
0x142: {  	s23 =	sor.u32 s19, s29;
	v4 =	vld.idx.msk [tilespmem:v37+s3+$0x0], $0xffff;
	[tilespmem:s31+$0x0] =	vst v6  }
0x143: {  	v41 =	vor.u32 $0x2D, v0;
	s21 =	sor.u32 s20, s29;
	[tilespmem:s23+$0x0] =	vst v8;
	v6 =	vld.idx.msk [tilespmem:v38+s3+$0x0], $0xffff  }
0x144: {  	v42 =	vor.u32 $0x2D, v3;
	v8 =	vld.idx.msk [tilespmem:v39+s3+$0x0], $0xffff;
	[tilespmem:s21+$0x0] =	vst v10  }
0x145: {  	v43 =	vor.u32 $0x2D, v2;
	s24 =	sadd.s32 $0x12600, s17;
	v10 =	vld.idx.msk [tilespmem:v40+s3+$0x0], $0xffff  }
0x146: {  	v44 =	vor.u32 $0x2D, v1;
	s25 =	sor.u32 s16, s24  }
0x147: {  	s26 =	sor.u32 s18, s24;
	[tilespmem:s25+$0x0] =	vst v4  }
0x148: {  	s28 =	sor.u32 s19, s24;
	v4 =	vld.idx.msk [tilespmem:v41+s3+$0x0], $0xffff;
	[tilespmem:s26+$0x0] =	vst v6  }
0x149: {  	v45 =	vor.u32 $0x2E, v0;
	s21 =	sor.u32 s20, s24;
	[tilespmem:s28+$0x0] =	vst v8;
	v6 =	vld.idx.msk [tilespmem:v42+s3+$0x0], $0xffff  }
0x14a: {  	v46 =	vor.u32 $0x2E, v3;
	v8 =	vld.idx.msk [tilespmem:v43+s3+$0x0], $0xffff;
	[tilespmem:s21+$0x0] =	vst v10  }
0x14b: {  	v47 =	vor.u32 $0x2E, v2;
	s29 =	sadd.s32 $0x12680, s17;
	v10 =	vld.idx.msk [tilespmem:v44+s3+$0x0], $0xffff  }
0x14c: {  	v48 =	vor.u32 $0x2E, v1;
	s30 =	sor.u32 s16, s29  }
0x14d: {  	s31 =	sor.u32 s18, s29;
	[tilespmem:s30+$0x0] =	vst v4  }
0x14e: {  	s23 =	sor.u32 s19, s29;
	v4 =	vld.idx.msk [tilespmem:v45+s3+$0x0], $0xffff;
	[tilespmem:s31+$0x0] =	vst v6  }
0x14f: {  	v49 =	vor.u32 $0x2F, v0;
	s21 =	sor.u32 s20, s29;
	[tilespmem:s23+$0x0] =	vst v8;
	v6 =	vld.idx.msk [tilespmem:v46+s3+$0x0], $0xffff  }
0x150: {  	v50 =	vor.u32 $0x2F, v3;
	v8 =	vld.idx.msk [tilespmem:v47+s3+$0x0], $0xffff;
	[tilespmem:s21+$0x0] =	vst v10  }
0x151: {  	v51 =	vor.u32 $0x2F, v2;
	s24 =	sadd.s32 $0x12700, s17;
	v10 =	vld.idx.msk [tilespmem:v48+s3+$0x0], $0xffff  }
0x152: {  	v52 =	vor.u32 $0x2F, v1;
	s25 =	sor.u32 s16, s24  }
0x153: {  	s26 =	sor.u32 s18, s24;
	[tilespmem:s25+$0x0] =	vst v4  }
0x154: {  	s28 =	sor.u32 s19, s24;
	v4 =	vld.idx.msk [tilespmem:v49+s3+$0x0], $0xffff;
	[tilespmem:s26+$0x0] =	vst v6  }
0x155: {  	v53 =	vor.u32 $0x30, v0;
	s21 =	sor.u32 s20, s24;
	[tilespmem:s28+$0x0] =	vst v8;
	v6 =	vld.idx.msk [tilespmem:v50+s3+$0x0], $0xffff  }
0x156: {  	v54 =	vor.u32 $0x30, v3;
	v8 =	vld.idx.msk [tilespmem:v51+s3+$0x0], $0xffff;
	[tilespmem:s21+$0x0] =	vst v10  }
0x157: {  	v55 =	vor.u32 $0x30, v2;
	s29 =	sadd.s32 $0x12780, s17;
	v10 =	vld.idx.msk [tilespmem:v52+s3+$0x0], $0xffff  }
0x158: {  	v56 =	vor.u32 $0x30, v1;
	s30 =	sor.u32 s16, s29  }
0x159: {  	s31 =	sor.u32 s18, s29;
	[tilespmem:s30+$0x0] =	vst v4  }
0x15a: {  	s23 =	sor.u32 s19, s29;
	v4 =	vld.idx.msk [tilespmem:v53+s3+$0x0], $0xffff;
	[tilespmem:s31+$0x0] =	vst v6  }
0x15b: {  	v57 =	vor.u32 $0x31, v0;
	s21 =	sor.u32 s20, s29;
	[tilespmem:s23+$0x0] =	vst v8;
	v6 =	vld.idx.msk [tilespmem:v54+s3+$0x0], $0xffff  }
0x15c: {  	v58 =	vor.u32 $0x31, v3;
	v8 =	vld.idx.msk [tilespmem:v55+s3+$0x0], $0xffff;
	[tilespmem:s21+$0x0] =	vst v10  }
0x15d: {  	v59 =	vor.u32 $0x31, v2;
	s24 =	sadd.s32 $0x14400, s17;
	v10 =	vld.idx.msk [tilespmem:v56+s3+$0x0], $0xffff  }
0x15e: {  	v60 =	vor.u32 $0x31, v1;
	s25 =	sor.u32 s16, s24  }
0x15f: {  	s26 =	sor.u32 s18, s24;
	[tilespmem:s25+$0x0] =	vst v4  }
0x160: {  	s28 =	sor.u32 s19, s24;
	v4 =	vld.idx.msk [tilespmem:v57+s3+$0x0], $0xffff;
	[tilespmem:s26+$0x0] =	vst v6  }
0x161: {  	v61 =	vor.u32 $0x32, v0;
	s21 =	sor.u32 s20, s24;
	[tilespmem:s28+$0x0] =	vst v8;
	v6 =	vld.idx.msk [tilespmem:v58+s3+$0x0], $0xffff  }
0x162: {  	v62 =	vor.u32 $0x32, v3;
	v8 =	vld.idx.msk [tilespmem:v59+s3+$0x0], $0xffff;
	[tilespmem:s21+$0x0] =	vst v10  }
0x163: {  	v63 =	vor.u32 $0x32, v2;
	s29 =	sadd.s32 $0x14480, s17;
	v10 =	vld.idx.msk [tilespmem:v60+s3+$0x0], $0xffff  }
0x164: {  	v12 =	vor.u32 $0x32, v1;
	s30 =	sor.u32 s16, s29  }
0x165: {  	s31 =	sor.u32 s18, s29;
	[tilespmem:s30+$0x0] =	vst v4  }
0x166: {  	s23 =	sor.u32 s19, s29;
	v4 =	vld.idx.msk [tilespmem:v61+s3+$0x0], $0xffff;
	[tilespmem:s31+$0x0] =	vst v6  }
0x167: {  	v13 =	vor.u32 $0x33, v0;
	s21 =	sor.u32 s20, s29;
	[tilespmem:s23+$0x0] =	vst v8;
	v6 =	vld.idx.msk [tilespmem:v62+s3+$0x0], $0xffff  }
0x168: {  	v14 =	vor.u32 $0x33, v3;
	v8 =	vld.idx.msk [tilespmem:v63+s3+$0x0], $0xffff;
	[tilespmem:s21+$0x0] =	vst v10  }
0x169: {  	v15 =	vor.u32 $0x33, v2;
	s24 =	sadd.s32 $0x14500, s17;
	v10 =	vld.idx.msk [tilespmem:v12+s3+$0x0], $0xffff  }
0x16a: {  	v16 =	vor.u32 $0x33, v1;
	s25 =	sor.u32 s16, s24  }
0x16b: {  	s26 =	sor.u32 s18, s24;
	[tilespmem:s25+$0x0] =	vst v4  }
0x16c: {  	s28 =	sor.u32 s19, s24;
	v4 =	vld.idx.msk [tilespmem:v13+s3+$0x0], $0xffff;
	[tilespmem:s26+$0x0] =	vst v6  }
0x16d: {  	v17 =	vor.u32 $0x34, v0;
	s21 =	sor.u32 s20, s24;
	[tilespmem:s28+$0x0] =	vst v8;
	v6 =	vld.idx.msk [tilespmem:v14+s3+$0x0], $0xffff  }
0x16e: {  	v18 =	vor.u32 $0x34, v3;
	v8 =	vld.idx.msk [tilespmem:v15+s3+$0x0], $0xffff;
	[tilespmem:s21+$0x0] =	vst v10  }
0x16f: {  	v19 =	vor.u32 $0x34, v2;
	s29 =	sadd.s32 $0x14580, s17;
	v10 =	vld.idx.msk [tilespmem:v16+s3+$0x0], $0xffff  }
0x170: {  	v20 =	vor.u32 $0x34, v1;
	s30 =	sor.u32 s16, s29  }
0x171: {  	s31 =	sor.u32 s18, s29;
	[tilespmem:s30+$0x0] =	vst v4  }
0x172: {  	s23 =	sor.u32 s19, s29;
	v4 =	vld.idx.msk [tilespmem:v17+s3+$0x0], $0xffff;
	[tilespmem:s31+$0x0] =	vst v6  }
0x173: {  	v21 =	vor.u32 $0x35, v0;
	s21 =	sor.u32 s20, s29;
	[tilespmem:s23+$0x0] =	vst v8;
	v6 =	vld.idx.msk [tilespmem:v18+s3+$0x0], $0xffff  }
0x174: {  	v22 =	vor.u32 $0x35, v3;
	v8 =	vld.idx.msk [tilespmem:v19+s3+$0x0], $0xffff;
	[tilespmem:s21+$0x0] =	vst v10  }
0x175: {  	v23 =	vor.u32 $0x35, v2;
	s24 =	sadd.s32 $0x14600, s17;
	v10 =	vld.idx.msk [tilespmem:v20+s3+$0x0], $0xffff  }
0x176: {  	v24 =	vor.u32 $0x35, v1;
	s25 =	sor.u32 s16, s24  }
0x177: {  	s26 =	sor.u32 s18, s24;
	[tilespmem:s25+$0x0] =	vst v4  }
0x178: {  	s28 =	sor.u32 s19, s24;
	v4 =	vld.idx.msk [tilespmem:v21+s3+$0x0], $0xffff;
	[tilespmem:s26+$0x0] =	vst v6  }
0x179: {  	v25 =	vor.u32 $0x36, v0;
	s21 =	sor.u32 s20, s24;
	[tilespmem:s28+$0x0] =	vst v8;
	v6 =	vld.idx.msk [tilespmem:v22+s3+$0x0], $0xffff  }
0x17a: {  	v26 =	vor.u32 $0x36, v3;
	v8 =	vld.idx.msk [tilespmem:v23+s3+$0x0], $0xffff;
	[tilespmem:s21+$0x0] =	vst v10  }
0x17b: {  	v27 =	vor.u32 $0x36, v2;
	s29 =	sadd.s32 $0x14680, s17;
	v10 =	vld.idx.msk [tilespmem:v24+s3+$0x0], $0xffff  }
0x17c: {  	v28 =	vor.u32 $0x36, v1;
	s30 =	sor.u32 s16, s29  }
0x17d: {  	s31 =	sor.u32 s18, s29;
	[tilespmem:s30+$0x0] =	vst v4  }
0x17e: {  	s23 =	sor.u32 s19, s29;
	v4 =	vld.idx.msk [tilespmem:v25+s3+$0x0], $0xffff;
	[tilespmem:s31+$0x0] =	vst v6  }
0x17f: {  	v29 =	vor.u32 $0x37, v0;
	s21 =	sor.u32 s20, s29;
	[tilespmem:s23+$0x0] =	vst v8;
	v6 =	vld.idx.msk [tilespmem:v26+s3+$0x0], $0xffff  }
0x180: {  	v30 =	vor.u32 $0x37, v3;
	v8 =	vld.idx.msk [tilespmem:v27+s3+$0x0], $0xffff;
	[tilespmem:s21+$0x0] =	vst v10  }
0x181: {  	v31 =	vor.u32 $0x37, v2;
	s24 =	sadd.s32 $0x14700, s17;
	v10 =	vld.idx.msk [tilespmem:v28+s3+$0x0], $0xffff  }
0x182: {  	v32 =	vor.u32 $0x37, v1;
	s25 =	sor.u32 s16, s24  }
0x183: {  	s26 =	sor.u32 s18, s24;
	[tilespmem:s25+$0x0] =	vst v4  }
0x184: {  	s28 =	sor.u32 s19, s24;
	v4 =	vld.idx.msk [tilespmem:v29+s3+$0x0], $0xffff;
	[tilespmem:s26+$0x0] =	vst v6  }
0x185: {  	v33 =	vor.u32 $0x38, v0;
	s21 =	sor.u32 s20, s24;
	[tilespmem:s28+$0x0] =	vst v8;
	v6 =	vld.idx.msk [tilespmem:v30+s3+$0x0], $0xffff  }
0x186: {  	v34 =	vor.u32 $0x38, v3;
	v8 =	vld.idx.msk [tilespmem:v31+s3+$0x0], $0xffff;
	[tilespmem:s21+$0x0] =	vst v10  }
0x187: {  	v35 =	vor.u32 $0x38, v2;
	s29 =	sadd.s32 $0x14780, s17;
	v10 =	vld.idx.msk [tilespmem:v32+s3+$0x0], $0xffff  }
0x188: {  	v36 =	vor.u32 $0x38, v1;
	s30 =	sor.u32 s16, s29  }
0x189: {  	s31 =	sor.u32 s18, s29;
	[tilespmem:s30+$0x0] =	vst v4  }
0x18a: {  	s23 =	sor.u32 s19, s29;
	v4 =	vld.idx.msk [tilespmem:v33+s3+$0x0], $0xffff;
	[tilespmem:s31+$0x0] =	vst v6  }
0x18b: {  	v37 =	vor.u32 $0x39, v0;
	s21 =	sor.u32 s20, s29;
	[tilespmem:s23+$0x0] =	vst v8;
	v6 =	vld.idx.msk [tilespmem:v34+s3+$0x0], $0xffff  }
0x18c: {  	v38 =	vor.u32 $0x39, v3;
	v8 =	vld.idx.msk [tilespmem:v35+s3+$0x0], $0xffff;
	[tilespmem:s21+$0x0] =	vst v10  }
0x18d: {  	v39 =	vor.u32 $0x39, v2;
	s24 =	sadd.s32 $0x16400, s17;
	v10 =	vld.idx.msk [tilespmem:v36+s3+$0x0], $0xffff  }
0x18e: {  	v40 =	vor.u32 $0x39, v1;
	s25 =	sor.u32 s16, s24  }
0x18f: {  	s26 =	sor.u32 s18, s24;
	[tilespmem:s25+$0x0] =	vst v4  }
0x190: {  	s28 =	sor.u32 s19, s24;
	v4 =	vld.idx.msk [tilespmem:v37+s3+$0x0], $0xffff;
	[tilespmem:s26+$0x0] =	vst v6  }
0x191: {  	v41 =	vor.u32 $0x3A, v0;
	s21 =	sor.u32 s20, s24;
	[tilespmem:s28+$0x0] =	vst v8;
	v6 =	vld.idx.msk [tilespmem:v38+s3+$0x0], $0xffff  }
0x192: {  	v42 =	vor.u32 $0x3A, v3;
	v8 =	vld.idx.msk [tilespmem:v39+s3+$0x0], $0xffff;
	[tilespmem:s21+$0x0] =	vst v10  }
0x193: {  	v43 =	vor.u32 $0x3A, v2;
	s29 =	sadd.s32 $0x16480, s17;
	v10 =	vld.idx.msk [tilespmem:v40+s3+$0x0], $0xffff  }
0x194: {  	v44 =	vor.u32 $0x3A, v1;
	s30 =	sor.u32 s16, s29  }
0x195: {  	s31 =	sor.u32 s18, s29;
	[tilespmem:s30+$0x0] =	vst v4  }
0x196: {  	s23 =	sor.u32 s19, s29;
	v4 =	vld.idx.msk [tilespmem:v41+s3+$0x0], $0xffff;
	[tilespmem:s31+$0x0] =	vst v6  }
0x197: {  	v45 =	vor.u32 $0x3B, v0;
	s21 =	sor.u32 s20, s29;
	[tilespmem:s23+$0x0] =	vst v8;
	v6 =	vld.idx.msk [tilespmem:v42+s3+$0x0], $0xffff  }
0x198: {  	v46 =	vor.u32 $0x3B, v3;
	v8 =	vld.idx.msk [tilespmem:v43+s3+$0x0], $0xffff;
	[tilespmem:s21+$0x0] =	vst v10  }
0x199: {  	v47 =	vor.u32 $0x3B, v2;
	s24 =	sadd.s32 $0x16500, s17;
	v10 =	vld.idx.msk [tilespmem:v44+s3+$0x0], $0xffff  }
0x19a: {  	v48 =	vor.u32 $0x3B, v1;
	s25 =	sor.u32 s16, s24  }
0x19b: {  	s26 =	sor.u32 s18, s24;
	[tilespmem:s25+$0x0] =	vst v4  }
0x19c: {  	s28 =	sor.u32 s19, s24;
	v4 =	vld.idx.msk [tilespmem:v45+s3+$0x0], $0xffff;
	[tilespmem:s26+$0x0] =	vst v6  }
0x19d: {  	v49 =	vor.u32 $0x3C, v0;
	s21 =	sor.u32 s20, s24;
	[tilespmem:s28+$0x0] =	vst v8;
	v6 =	vld.idx.msk [tilespmem:v46+s3+$0x0], $0xffff  }
0x19e: {  	v50 =	vor.u32 $0x3C, v3;
	v8 =	vld.idx.msk [tilespmem:v47+s3+$0x0], $0xffff;
	[tilespmem:s21+$0x0] =	vst v10  }
0x19f: {  	v51 =	vor.u32 $0x3C, v2;
	s29 =	sadd.s32 $0x16580, s17;
	v10 =	vld.idx.msk [tilespmem:v48+s3+$0x0], $0xffff  }
0x1a0: {  	v52 =	vor.u32 $0x3C, v1;
	s30 =	sor.u32 s16, s29  }
0x1a1: {  	s31 =	sor.u32 s18, s29;
	[tilespmem:s30+$0x0] =	vst v4  }
0x1a2: {  	s23 =	sor.u32 s19, s29;
	v4 =	vld.idx.msk [tilespmem:v49+s3+$0x0], $0xffff;
	[tilespmem:s31+$0x0] =	vst v6  }
0x1a3: {  	v53 =	vor.u32 $0x3D, v0;
	s21 =	sor.u32 s20, s29;
	[tilespmem:s23+$0x0] =	vst v8;
	v6 =	vld.idx.msk [tilespmem:v50+s3+$0x0], $0xffff  }
0x1a4: {  	v54 =	vor.u32 $0x3D, v3;
	v8 =	vld.idx.msk [tilespmem:v51+s3+$0x0], $0xffff;
	[tilespmem:s21+$0x0] =	vst v10  }
0x1a5: {  	v55 =	vor.u32 $0x3D, v2;
	s24 =	sadd.s32 $0x16600, s17;
	v10 =	vld.idx.msk [tilespmem:v52+s3+$0x0], $0xffff  }
0x1a6: {  	v56 =	vor.u32 $0x3D, v1;
	s25 =	sor.u32 s16, s24  }
0x1a7: {  	s26 =	sor.u32 s18, s24;
	[tilespmem:s25+$0x0] =	vst v4  }
0x1a8: {  	s28 =	sor.u32 s19, s24;
	v4 =	vld.idx.msk [tilespmem:v53+s3+$0x0], $0xffff;
	[tilespmem:s26+$0x0] =	vst v6  }
0x1a9: {  	v57 =	vor.u32 $0x3E, v0;
	s21 =	sor.u32 s20, s24;
	[tilespmem:s28+$0x0] =	vst v8;
	v6 =	vld.idx.msk [tilespmem:v54+s3+$0x0], $0xffff  }
0x1aa: {  	v58 =	vor.u32 $0x3E, v3;
	v8 =	vld.idx.msk [tilespmem:v55+s3+$0x0], $0xffff;
	[tilespmem:s21+$0x0] =	vst v10  }
0x1ab: {  	v59 =	vor.u32 $0x3E, v2;
	s29 =	sadd.s32 $0x16680, s17;
	v10 =	vld.idx.msk [tilespmem:v56+s3+$0x0], $0xffff  }
0x1ac: {  	v60 =	vor.u32 $0x3E, v1;
	s30 =	sor.u32 s16, s29  }
0x1ad: {  	s31 =	sor.u32 s18, s29;
	[tilespmem:s30+$0x0] =	vst v4  }
0x1ae: {  	s23 =	sor.u32 s19, s29;
	v4 =	vld.idx.msk [tilespmem:v57+s3+$0x0], $0xffff;
	[tilespmem:s31+$0x0] =	vst v6  }
0x1af: {  	v0 =	vor.u32 $0x3F, v0;
	s21 =	sor.u32 s20, s29;
	[tilespmem:s23+$0x0] =	vst v8;
	v61 =	vld.idx.msk [tilespmem:v58+s3+$0x0], $0xffff  }
0x1b0: {  	v3 =	vor.u32 $0x3F, v3;
	[tilespmem:s21+$0x0] =	vst v10;
	v62 =	vld.idx.msk [tilespmem:v59+s3+$0x0], $0xffff  }
0x1b1: {  	v2 =	vor.u32 $0x3F, v2;
	s24 =	sadd.s32 $0x16700, s17;
	v63 =	vld.idx.msk [tilespmem:v60+s3+$0x0], $0xffff  }
0x1b2: {  	v1 =	vor.u32 $0x3F, v1;
	s25 =	sor.u32 s16, s24  }
0x1b3: {  	s26 =	sor.u32 s18, s24;
	[tilespmem:s25+$0x0] =	vst v4  }
0x1b4: {  	s28 =	sor.u32 s19, s24;
	v0 =	vld.idx.msk [tilespmem:v0+s3+$0x0], $0xffff;
	[tilespmem:s26+$0x0] =	vst v61  }
0x1b5: {  	s21 =	sor.u32 s20, s24;
	[tilespmem:s28+$0x0] =	vst v62;
	v3 =	vld.idx.msk [tilespmem:v3+s3+$0x0], $0xffff  }
0x1b6: {  	s13 =	sadd.s32 $0x4, s13;
	[tilespmem:s21+$0x0] =	vst v63;
	v2 =	vld.idx.msk [tilespmem:v2+s3+$0x0], $0xffff  }
0x1b7: {  	p1 =	slt.u32 s13, $0x3C;
	s17 =	sadd.s32 $0x16780, s17;
	v1 =	vld.idx.msk [tilespmem:v1+s3+$0x0], $0xffff  }
.Ltmp0:
0x1b8: {  	s16 =	sor.u32 s16, s17;
	(pc) =	sbr.rel @p1 .LBB2_2-.Ltmp0, $4  }
0x1b9: {  	s29 =	sor.u32 s18, s17;
	[tilespmem:s16+$0x0] =	vst v0  }
0x1ba: {  	s30 =	sor.u32 s19, s17;
	[tilespmem:s29+$0x0] =	vst v3  }
0x1bb: {  	s14 =	sadd.s32 $0x40, s14;
	s31 =	sor.u32 s20, s17;
	[tilespmem:s30+$0x0] =	vst v2  }
0x1bc: {  	s12 =	sadd.s32 $0x40, s12;
	p0 =	por !p0, !p0;
	s15 =	sadd.s32 $0x200, s15;
	[tilespmem:s31+$0x0] =	vst v1  }
0x1bd: {  	s11 =	sadd.s32 $0x1, s11  }
0x1be: {  	p0 =	sne.s32 s11, s6  }
.Ltmp1:
0x1bf: {  	_ = 	snop;
	(pc) =	sbr.rel @p0 .LBB2_1-.Ltmp1, $4  }
0x1c0: {  	[hbm4b:s5+s3] =	stream.linear.scatter [tilespmem:s10], [sflag:$0x1], $0x10000, $0x38;
	[tilespmem:$0x18400] =	vst v63  }
0x1c1: {  	_ =	swait.ge [sflag:s7], $0x10000  }
0x1c2: {  	[sflag:s7] =	ssyncset.done $0x0  }
0x1c3: {  	[sflag:s7] =	ssyncadd.s32 $0xFFFF0000  }
0x1c4: {  	_ =	sfence.sel $0x180000  }
0x1c5: {  	[bflag:$0x0] =	sbarrier.arrive $0xFFFF  }
0x1c6: {  	p0 =	sne.s32 s1, $0x0;
	_ =	strace $0x90000047  }
0x1c7: {  	s0 =	sadd.s32 @!p0 $0x100000, s0;
	[bflag:$0x2] =	sbarrier.arrive $0xFFFF  }
0x1c8: {  	[sflag:s0] =	ssyncadd.tile.s32 @!p0 $0x1;
	_ =	shalt  }
.Lfunc_end2:
_tile_overlayer_lowered:
.L_overlay_start_2:
0x1c9: {  	(tag) =	ssettag $0x2  }
0x1ca: {  	s0 =	rddreg [dreg:$0x0];
	s2 =	stileid.u32  }
0x1cb: {  	s1 =	rddreg [dreg:$0x1];
	p0 =	sne.s32 s2, $0x0  }
0x1cc: {  	s3 =	rddreg [dreg:$0x2];
	[bflag:$0x3] =	sbarrier.arrive $0xFFFF;
	s2 =	simm.s32 @!p0 $0x1C01  }
0x1cd: {  	[timem:s3], [sflag:s2] =	dma.local @!p0 [hbm:s0], s1  }
0x1ce: {  	s0 =	simm.s32 @!p0 $0x1  }
0x1cf: {  	_ =	swait.ge @!p0 [sflag:s0], s1  }
0x1d0: {  	s1 =	ssub.s32 @!p0 $0x0, s1;
	[sflag:s0] =	ssyncset.done @!p0 $0x0  }
0x1d1: {  	[sflag:s0] =	ssyncadd.s32 @!p0 s1  }
0x1d2: {  	[bflag:$0x3] =	sbarrier.arrive $0xFFFF  }
0x1d3: {  	_ =	shalt  }

</sc_bundles>
